<compile_context>
chip_gen: v7x
topology: tpu7x:2x2x1
jax: 0.10.2.dev20260603
libtpu: 0.0.44.dev20260713+nightly
codegen_flags: <defaults>
</compile_context>

<pallas_src>
import functools
import math

import jax
import jax.numpy as jnp
from jax import lax
from jax.experimental import pallas as pl
from jax.experimental.pallas import tpu as pltpu
from jax.experimental.pallas import tpu_sc as plsc

NC = 2
NS = 16
NW = NC * NS
LANES = 16

D = 64
NTOK = 1000000
BATCH = 4096
HIST = 200
NB = BATCH // 128
ND = D // 8
SCALE = math.sqrt(float(D))

_mesh = plsc.VectorSubcoreMesh(
    core_axis_name="c", subcore_axis_name="s", num_cores=NC, num_subcores=NS
)


@functools.partial(
    pl.kernel,
    out_type=jax.ShapeDtypeStruct((HIST, ND, NB, 8, 128), jnp.float32),
    mesh=_mesh,
    scratch_types=[
        pltpu.VMEM((128,), jnp.int32),
        pltpu.VMEM((128,), jnp.int32),
        pltpu.VMEM((128, D), jnp.float32),
        pltpu.VMEM((128, D), jnp.float32),
        pltpu.VMEM((ND, 8, 129), jnp.float32),
        pltpu.VMEM((ND, 8, 129), jnp.float32),
        pltpu.SemaphoreType.DMA,
        pltpu.SemaphoreType.DMA,
        pltpu.SemaphoreType.DMA,
        pltpu.SemaphoreType.DMA,
    ],
    compiler_params=pltpu.CompilerParams(
        use_tc_tiling_on_sc=False, needs_layout_passes=False
    ),
)
def _emb_lookup(
    table_hbm, srct_hbm, out_hbm,
    idx_a, idx_b, rows_a, rows_b, tiles_a, tiles_b, sem_a, sem_b, wsem_a, wsem_b,
):
    wid = lax.axis_index("s") * NC + lax.axis_index("c")
    col0 = wid * 128

    def stage(h, idx_v, rows_v, sem):
        pltpu.sync_copy(srct_hbm.at[h, pl.ds(col0, 128)], idx_v)
        for o in range(0, 128, LANES):
            sl = pl.ds(o, LANES)
            idx_v[sl] = idx_v[sl] * 2
        pltpu.async_copy(table_hbm.at[idx_v], rows_v, sem)

    def gather_wait(idx_v, rows_v, sem):
        pltpu.make_async_copy(table_hbm.at[idx_v], rows_v, sem).wait()

    zeros16 = jnp.zeros((LANES,), jnp.int32)
    iota16 = lax.iota(jnp.int32, LANES)
    tdvs = [lax.shift_right_logical(iota16 + k * LANES, 3) for k in range(4)]
    svs = [lax.bitwise_and(iota16 + k * LANES, 7) for k in range(4)]

    def consume(h, rows_v, tiles_v, wsem):
        @plsc.parallel_loop(0, 128, unroll=8)
        def _t(l):
            lv = zeros16 + l
            for k in range(4):
                v = rows_v[l, pl.ds(k * LANES, LANES)]
                plsc.store_scatter(tiles_v, [tdvs[k], svs[k], lv], v)

        pltpu.async_copy(
            tiles_v.at[:, :, pl.ds(0, 128)], out_hbm.at[h, :, wid], wsem
        )

    def write_wait(h, tiles_v, wsem):
        pltpu.make_async_copy(
            tiles_v.at[:, :, pl.ds(0, 128)], out_hbm.at[h, :, wid], wsem
        ).wait()

    stage(0, idx_a, rows_a, sem_a)

    @pl.loop(0, HIST, step=2)
    def _step(h):
        stage(h + 1, idx_b, rows_b, sem_b)
        gather_wait(idx_a, rows_a, sem_a)

        @pl.when(h >= 2)
        def _wa():
            write_wait(h - 2, tiles_a, wsem_a)

        consume(h, rows_a, tiles_a, wsem_a)

        @pl.when(h + 2 < HIST)
        def _prefetch():
            stage(h + 2, idx_a, rows_a, sem_a)

        gather_wait(idx_b, rows_b, sem_b)

        @pl.when(h >= 2)
        def _wb():
            write_wait(h - 1, tiles_b, wsem_b)

        consume(h + 1, rows_b, tiles_b, wsem_b)

    write_wait(HIST - 2, tiles_a, wsem_a)
    write_wait(HIST - 1, tiles_b, wsem_b)


_TBLK = 8192


def _fmt_body(in_ref, out_ref):
    x = in_ref[...]
    y = jnp.transpose(x) * SCALE
    out_ref[...] = jnp.pad(y, ((0, 0), (0, D)))


_tc_format = pl.pallas_call(
    _fmt_body,
    grid=((NTOK + _TBLK - 1) // _TBLK,),
    in_specs=[pl.BlockSpec((D, _TBLK), lambda i: (0, i))],
    out_specs=pl.BlockSpec((_TBLK, 2 * D), lambda i: (i, 0)),
    out_shape=jax.ShapeDtypeStruct((NTOK, 2 * D), jnp.float32),
)


def kernel(src, emb_weight):
    src_t = src.T.astype(jnp.int32)
    table3 = _tc_format(emb_weight.T).reshape(2 * NTOK, D)
    x = _emb_lookup(table3, src_t)
    out = jnp.transpose(x, (2, 4, 0, 1, 3))
    return out.reshape(BATCH, HIST, D)

# --- scband reference (transcript-rebuilt; emitter-appended) ---
"""Pipeline reference for scband-embeddings-1864015807003 (READ-ONLY COPY).

The authoritative reference and input builder live on the scoring server;
editing this copy changes nothing except your own understanding.
"""

import math
import jax, jax.numpy as jnp
import numpy as np

NTOKEN = 1000000
NINP = 64
BATCH = 4096
HIST = 200

def setup_inputs(seed: int = 0) -> dict:
    key = jax.random.key(seed)
    k1, k2 = jax.random.split(key)
    src = jax.random.randint(k1, (BATCH, HIST), 0, NTOKEN, dtype=jnp.int64 if jax.config.jax_enable_x64 else jnp.int32)
    emb_weight = jax.random.normal(k2, (NTOKEN, NINP), dtype=jnp.float32)
    return {"src": src, "emb_weight": emb_weight}

def reference(src, emb_weight):
    # nn.Embedding lookup followed by scale by sqrt(ninp)
    out = jnp.take(emb_weight, src, axis=0)
    return out * math.sqrt(NINP)

if __name__ == "__main__":
    import jax
    _d = setup_inputs()
    print(jax.jit(kernel)(*tuple(_d.values())))

</pallas_src>

<mosaic_0001>
#map = affine_map<(d0, d1) -> (0, 0)>
#map1 = affine_map<(d0, d1) -> (0, 0, 0, 0, 0)>
module attributes {stable_mosaic.version = 14 : i64} {
  func.func @_emb_lookup(%arg0: i32, %arg1: i32, %arg2: memref<2000000x64xf32, #tpu.memory_space<hbm>>, %arg3: memref<200x4096xi32, #tpu.memory_space<hbm>>, %arg4: memref<200x8x32x8x128xf32, #tpu.memory_space<hbm>>, %arg5: memref<128xi32, #tpu.memory_space<vmem>>, %arg6: memref<128xi32, #tpu.memory_space<vmem>>, %arg7: memref<128x64xf32, #tpu.memory_space<vmem>>, %arg8: memref<128x64xf32, #tpu.memory_space<vmem>>, %arg9: memref<8x8x129xf32, #tpu.memory_space<vmem>>, %arg10: memref<8x8x129xf32, #tpu.memory_space<vmem>>, %arg11: memref<!tpu.dma_semaphore, #tpu.memory_space<semaphore_mem>>, %arg12: memref<!tpu.dma_semaphore, #tpu.memory_space<semaphore_mem>>, %arg13: memref<!tpu.dma_semaphore, #tpu.memory_space<semaphore_mem>>, %arg14: memref<!tpu.dma_semaphore, #tpu.memory_space<semaphore_mem>>) attributes {dimension_semantics = [#tpu.dimension_semantics<core_parallel>, #tpu.dimension_semantics<subcore_parallel>], iteration_bounds = array<i64: 2, 16>, scalar_prefetch = 0 : i64, scratch_operands = 10 : i64, tpu.core_type = #tpu.core_type<sc_vector_subcore>, window_params = [{transform_indices = #map}, {transform_indices = #map}, {transform_indices = #map1}]} {
    %mul3A = arith.constant 2 : i32
    %mul3A_0 = arith.muli %arg1, %mul3A : i32
    %add3A = arith.addi %mul3A_0, %arg0 : i32
    %mul3A_1 = arith.constant 128 : i32
    %mul3A_2 = arith.muli %add3A, %mul3A_1 : i32
    %broadcast_in_dim3A = arith.constant 0 : i32
    %broadcast_in_dim3A_3 = vector.broadcast %broadcast_in_dim3A : i32 to vector<16xi32>
    %iota3A = tpu.iota {dimensions = array<i32: 0>} : vector<16xi32>
    %add3A_4 = arith.constant 0 : i32
    %add3A_5 = vector.broadcast %add3A_4 : i32 to vector<16xi32>
    %add3A_6 = arith.addi %iota3A, %add3A_5 : vector<16xi32>
    %shift_right_logical3A = arith.constant 3 : i32
    %shift_right_logical3A_7 = vector.broadcast %shift_right_logical3A : i32 to vector<16xi32>
    %shift_right_logical3A_8 = arith.shrui %add3A_6, %shift_right_logical3A_7 : vector<16xi32>
    %add3A_9 = arith.constant 16 : i32
    %add3A_10 = vector.broadcast %add3A_9 : i32 to vector<16xi32>
    %add3A_11 = arith.addi %iota3A, %add3A_10 : vector<16xi32>
    %shift_right_logical3A_12 = arith.constant 3 : i32
    %shift_right_logical3A_13 = vector.broadcast %shift_right_logical3A_12 : i32 to vector<16xi32>
    %shift_right_logical3A_14 = arith.shrui %add3A_11, %shift_right_logical3A_13 : vector<16xi32>
    %add3A_15 = arith.constant 32 : i32
    %add3A_16 = vector.broadcast %add3A_15 : i32 to vector<16xi32>
    %add3A_17 = arith.addi %iota3A, %add3A_16 : vector<16xi32>
    %shift_right_logical3A_18 = arith.constant 3 : i32
    %shift_right_logical3A_19 = vector.broadcast %shift_right_logical3A_18 : i32 to vector<16xi32>
    %shift_right_logical3A_20 = arith.shrui %add3A_17, %shift_right_logical3A_19 : vector<16xi32>
    %add3A_21 = arith.constant 48 : i32
    %add3A_22 = vector.broadcast %add3A_21 : i32 to vector<16xi32>
    %add3A_23 = arith.addi %iota3A, %add3A_22 : vector<16xi32>
    %shift_right_logical3A_24 = arith.constant 3 : i32
    %shift_right_logical3A_25 = vector.broadcast %shift_right_logical3A_24 : i32 to vector<16xi32>
    %shift_right_logical3A_26 = arith.shrui %add3A_23, %shift_right_logical3A_25 : vector<16xi32>
    %add3A_27 = arith.constant 0 : i32
    %add3A_28 = vector.broadcast %add3A_27 : i32 to vector<16xi32>
    %add3A_29 = arith.addi %iota3A, %add3A_28 : vector<16xi32>
    %and3A = arith.constant 7 : i32
    %and3A_30 = vector.broadcast %and3A : i32 to vector<16xi32>
    %and3A_31 = arith.andi %add3A_29, %and3A_30 : vector<16xi32>
    %add3A_32 = arith.constant 16 : i32
    %add3A_33 = vector.broadcast %add3A_32 : i32 to vector<16xi32>
    %add3A_34 = arith.addi %iota3A, %add3A_33 : vector<16xi32>
    %and3A_35 = arith.constant 7 : i32
    %and3A_36 = vector.broadcast %and3A_35 : i32 to vector<16xi32>
    %and3A_37 = arith.andi %add3A_34, %and3A_36 : vector<16xi32>
    %add3A_38 = arith.constant 32 : i32
    %add3A_39 = vector.broadcast %add3A_38 : i32 to vector<16xi32>
    %add3A_40 = arith.addi %iota3A, %add3A_39 : vector<16xi32>
    %and3A_41 = arith.constant 7 : i32
    %and3A_42 = vector.broadcast %and3A_41 : i32 to vector<16xi32>
    %and3A_43 = arith.andi %add3A_40, %and3A_42 : vector<16xi32>
    %add3A_44 = arith.constant 48 : i32
    %add3A_45 = vector.broadcast %add3A_44 : i32 to vector<16xi32>
    %add3A_46 = arith.addi %iota3A, %add3A_45 : vector<16xi32>
    %and3A_47 = arith.constant 7 : i32
    %and3A_48 = vector.broadcast %and3A_47 : i32 to vector<16xi32>
    %and3A_49 = arith.andi %add3A_46, %and3A_48 : vector<16xi32>
    %run_scoped3A = arith.constant 0 : i32
    "tpu.region"() ({
      %run_scoped3A_147 = tpu.sem_alloc : memref<!tpu.dma_semaphore, #tpu.memory_space<semaphore_mem>>
      %dma_start3A_148 = tpu.memref_slice %arg3[%run_scoped3A, %mul3A_2] : memref<200x4096xi32, #tpu.memory_space<hbm>> -> memref<1x128xi32, #tpu.memory_space<hbm>>
      %dma_start3A_149 = tpu.memref_squeeze %dma_start3A_148 : memref<1x128xi32, #tpu.memory_space<hbm>> -> memref<128xi32, #tpu.memory_space<hbm>>
      %dma_start3A_150 = tpu.memref_slice %arg3[%run_scoped3A, %mul3A_2] : memref<200x4096xi32, #tpu.memory_space<hbm>> -> memref<1x128xi32, #tpu.memory_space<hbm>>
      %dma_start3A_151 = tpu.memref_squeeze %dma_start3A_150 : memref<1x128xi32, #tpu.memory_space<hbm>> -> memref<128xi32, #tpu.memory_space<hbm>>
      tpu.enqueue_dma source(%dma_start3A_151 : memref<128xi32, #tpu.memory_space<hbm>>) target(%arg5 : memref<128xi32, #tpu.memory_space<vmem>>) target_semaphore(%run_scoped3A_147 : memref<!tpu.dma_semaphore, #tpu.memory_space<semaphore_mem>>)
      %dma_wait3A_152 = tpu.memref_slice %arg3[%run_scoped3A, %mul3A_2] : memref<200x4096xi32, #tpu.memory_space<hbm>> -> memref<1x128xi32, #tpu.memory_space<hbm>>
      %dma_wait3A_153 = tpu.memref_squeeze %dma_wait3A_152 : memref<1x128xi32, #tpu.memory_space<hbm>> -> memref<128xi32, #tpu.memory_space<hbm>>
      %dma_wait3A_154 = tpu.memref_slice %arg3[%run_scoped3A, %mul3A_2] : memref<200x4096xi32, #tpu.memory_space<hbm>> -> memref<1x128xi32, #tpu.memory_space<hbm>>
      %dma_wait3A_155 = tpu.memref_squeeze %dma_wait3A_154 : memref<1x128xi32, #tpu.memory_space<hbm>> -> memref<128xi32, #tpu.memory_space<hbm>>
      tpu.wait_dma2 semaphore(%run_scoped3A_147 : memref<!tpu.dma_semaphore, #tpu.memory_space<semaphore_mem>>) src(%dma_wait3A_155 : memref<128xi32, #tpu.memory_space<hbm>>) dst(%arg5 : memref<128xi32, #tpu.memory_space<vmem>>)
      tpu.yield
    }) : () -> ()
    %get3A = arith.constant 0 : index
    %get3A_50 = tpu.vector_load %arg5[%get3A] {strides = array<i32>} : memref<128xi32, #tpu.memory_space<vmem>>, vector<16xi32>,
    %mul3A_51 = arith.constant 2 : i32
    %mul3A_52 = vector.broadcast %mul3A_51 : i32 to vector<16xi32>
    %mul3A_53 = arith.muli %get3A_50, %mul3A_52 : vector<16xi32>
    %swap3A = arith.constant 0 : index
    %swap3A_54 = tpu.vector_load %arg5[%swap3A] {strides = array<i32>} : memref<128xi32, #tpu.memory_space<vmem>>, vector<16xi32>,
    tpu.vector_store %arg5[%swap3A], %mul3A_53 {strides = array<i32>} : memref<128xi32, #tpu.memory_space<vmem>>, vector<16xi32>,
    %get3A_55 = arith.constant 16 : index
    %get3A_56 = tpu.vector_load %arg5[%get3A_55] {strides = array<i32>} : memref<128xi32, #tpu.memory_space<vmem>>, vector<16xi32>,
    %mul3A_57 = arith.constant 2 : i32
    %mul3A_58 = vector.broadcast %mul3A_57 : i32 to vector<16xi32>
    %mul3A_59 = arith.muli %get3A_56, %mul3A_58 : vector<16xi32>
    %swap3A_60 = arith.constant 16 : index
    %swap3A_61 = tpu.vector_load %arg5[%swap3A_60] {strides = array<i32>} : memref<128xi32, #tpu.memory_space<vmem>>, vector<16xi32>,
    tpu.vector_store %arg5[%swap3A_60], %mul3A_59 {strides = array<i32>} : memref<128xi32, #tpu.memory_space<vmem>>, vector<16xi32>,
    %get3A_62 = arith.constant 32 : index
    %get3A_63 = tpu.vector_load %arg5[%get3A_62] {strides = array<i32>} : memref<128xi32, #tpu.memory_space<vmem>>, vector<16xi32>,
    %mul3A_64 = arith.constant 2 : i32
    %mul3A_65 = vector.broadcast %mul3A_64 : i32 to vector<16xi32>
    %mul3A_66 = arith.muli %get3A_63, %mul3A_65 : vector<16xi32>
    %swap3A_67 = arith.constant 32 : index
    %swap3A_68 = tpu.vector_load %arg5[%swap3A_67] {strides = array<i32>} : memref<128xi32, #tpu.memory_space<vmem>>, vector<16xi32>,
    tpu.vector_store %arg5[%swap3A_67], %mul3A_66 {strides = array<i32>} : memref<128xi32, #tpu.memory_space<vmem>>, vector<16xi32>,
    %get3A_69 = arith.constant 48 : index
    %get3A_70 = tpu.vector_load %arg5[%get3A_69] {strides = array<i32>} : memref<128xi32, #tpu.memory_space<vmem>>, vector<16xi32>,
    %mul3A_71 = arith.constant 2 : i32
    %mul3A_72 = vector.broadcast %mul3A_71 : i32 to vector<16xi32>
    %mul3A_73 = arith.muli %get3A_70, %mul3A_72 : vector<16xi32>
    %swap3A_74 = arith.constant 48 : index
    %swap3A_75 = tpu.vector_load %arg5[%swap3A_74] {strides = array<i32>} : memref<128xi32, #tpu.memory_space<vmem>>, vector<16xi32>,
    tpu.vector_store %arg5[%swap3A_74], %mul3A_73 {strides = array<i32>} : memref<128xi32, #tpu.memory_space<vmem>>, vector<16xi32>,
    %get3A_76 = arith.constant 64 : index
    %get3A_77 = tpu.vector_load %arg5[%get3A_76] {strides = array<i32>} : memref<128xi32, #tpu.memory_space<vmem>>, vector<16xi32>,
    %mul3A_78 = arith.constant 2 : i32
    %mul3A_79 = vector.broadcast %mul3A_78 : i32 to vector<16xi32>
    %mul3A_80 = arith.muli %get3A_77, %mul3A_79 : vector<16xi32>
    %swap3A_81 = arith.constant 64 : index
    %swap3A_82 = tpu.vector_load %arg5[%swap3A_81] {strides = array<i32>} : memref<128xi32, #tpu.memory_space<vmem>>, vector<16xi32>,
    tpu.vector_store %arg5[%swap3A_81], %mul3A_80 {strides = array<i32>} : memref<128xi32, #tpu.memory_space<vmem>>, vector<16xi32>,
    %get3A_83 = arith.constant 80 : index
    %get3A_84 = tpu.vector_load %arg5[%get3A_83] {strides = array<i32>} : memref<128xi32, #tpu.memory_space<vmem>>, vector<16xi32>,
    %mul3A_85 = arith.constant 2 : i32
    %mul3A_86 = vector.broadcast %mul3A_85 : i32 to vector<16xi32>
    %mul3A_87 = arith.muli %get3A_84, %mul3A_86 : vector<16xi32>
    %swap3A_88 = arith.constant 80 : index
    %swap3A_89 = tpu.vector_load %arg5[%swap3A_88] {strides = array<i32>} : memref<128xi32, #tpu.memory_space<vmem>>, vector<16xi32>,
    tpu.vector_store %arg5[%swap3A_88], %mul3A_87 {strides = array<i32>} : memref<128xi32, #tpu.memory_space<vmem>>, vector<16xi32>,
    %get3A_90 = arith.constant 96 : index
    %get3A_91 = tpu.vector_load %arg5[%get3A_90] {strides = array<i32>} : memref<128xi32, #tpu.memory_space<vmem>>, vector<16xi32>,
    %mul3A_92 = arith.constant 2 : i32
    %mul3A_93 = vector.broadcast %mul3A_92 : i32 to vector<16xi32>
    %mul3A_94 = arith.muli %get3A_91, %mul3A_93 : vector<16xi32>
    %swap3A_95 = arith.constant 96 : index
    %swap3A_96 = tpu.vector_load %arg5[%swap3A_95] {strides = array<i32>} : memref<128xi32, #tpu.memory_space<vmem>>, vector<16xi32>,
    tpu.vector_store %arg5[%swap3A_95], %mul3A_94 {strides = array<i32>} : memref<128xi32, #tpu.memory_space<vmem>>, vector<16xi32>,
    %get3A_97 = arith.constant 112 : index
    %get3A_98 = tpu.vector_load %arg5[%get3A_97] {strides = array<i32>} : memref<128xi32, #tpu.memory_space<vmem>>, vector<16xi32>,
    %mul3A_99 = arith.constant 2 : i32
    %mul3A_100 = vector.broadcast %mul3A_99 : i32 to vector<16xi32>
    %mul3A_101 = arith.muli %get3A_98, %mul3A_100 : vector<16xi32>
    %swap3A_102 = arith.constant 112 : index
    %swap3A_103 = tpu.vector_load %arg5[%swap3A_102] {strides = array<i32>} : memref<128xi32, #tpu.memory_space<vmem>>, vector<16xi32>,
    tpu.vector_store %arg5[%swap3A_102], %mul3A_101 {strides = array<i32>} : memref<128xi32, #tpu.memory_space<vmem>>, vector<16xi32>,
    %dma_start3A = arith.constant 0 : i32
    %dma_start3A_104 = arith.constant 0 : i32
    %dma_start3A_105 = tpu.memref_slice %arg2[%dma_start3A, %dma_start3A_104] : memref<2000000x64xf32, #tpu.memory_space<hbm>> -> memref<2000000x64xf32, #tpu.memory_space<hbm>>
    tpu.enqueue_indirect_dma source(%dma_start3A_105 : memref<2000000x64xf32, #tpu.memory_space<hbm>>) target(%arg7 : memref<128x64xf32, #tpu.memory_space<vmem>>) offsets(%arg5 : memref<128xi32, #tpu.memory_space<vmem>>) semaphore(%arg11 : memref<!tpu.dma_semaphore, #tpu.memory_space<semaphore_mem>>)
    %scan3A = arith.constant 0 : i32
    %scan3A_106 = arith.constant 100 : i32
    %scan3A_107 = arith.addi %scan3A, %scan3A_106 : i32
    %scan3A_108 = arith.constant 1 : i32
    scf.for %scan3A_147 = %scan3A to %scan3A_107 step %scan3A_108  : i32 {
      %mul3A_148 = arith.constant 2 : i32
      %mul3A_149 = arith.muli %scan3A_147, %mul3A_148 : i32
      %add3A_150 = arith.constant 0 : i32
      %add3A_151 = arith.addi %add3A_150, %mul3A_149 : i32
      %add3A_152 = arith.constant 1 : i32
      %add3A_153 = arith.addi %add3A_151, %add3A_152 : i32
      "tpu.region"() ({
        %run_scoped3A_275 = tpu.sem_alloc : memref<!tpu.dma_semaphore, #tpu.memory_space<semaphore_mem>>
        %dma_start3A_276 = tpu.memref_slice %arg3[%add3A_153, %mul3A_2] : memref<200x4096xi32, #tpu.memory_space<hbm>> -> memref<1x128xi32, #tpu.memory_space<hbm>>
        %dma_start3A_277 = tpu.memref_squeeze %dma_start3A_276 : memref<1x128xi32, #tpu.memory_space<hbm>> -> memref<128xi32, #tpu.memory_space<hbm>>
        %dma_start3A_278 = tpu.memref_slice %arg3[%add3A_153, %mul3A_2] : memref<200x4096xi32, #tpu.memory_space<hbm>> -> memref<1x128xi32, #tpu.memory_space<hbm>>
        %dma_start3A_279 = tpu.memref_squeeze %dma_start3A_278 : memref<1x128xi32, #tpu.memory_space<hbm>> -> memref<128xi32, #tpu.memory_space<hbm>>
        tpu.enqueue_dma source(%dma_start3A_279 : memref<128xi32, #tpu.memory_space<hbm>>) target(%arg6 : memref<128xi32, #tpu.memory_space<vmem>>) target_semaphore(%run_scoped3A_275 : memref<!tpu.dma_semaphore, #tpu.memory_space<semaphore_mem>>)
        %dma_wait3A_280 = tpu.memref_slice %arg3[%add3A_153, %mul3A_2] : memref<200x4096xi32, #tpu.memory_space<hbm>> -> memref<1x128xi32, #tpu.memory_space<hbm>>
        %dma_wait3A_281 = tpu.memref_squeeze %dma_wait3A_280 : memref<1x128xi32, #tpu.memory_space<hbm>> -> memref<128xi32, #tpu.memory_space<hbm>>
        %dma_wait3A_282 = tpu.memref_slice %arg3[%add3A_153, %mul3A_2] : memref<200x4096xi32, #tpu.memory_space<hbm>> -> memref<1x128xi32, #tpu.memory_space<hbm>>
        %dma_wait3A_283 = tpu.memref_squeeze %dma_wait3A_282 : memref<1x128xi32, #tpu.memory_space<hbm>> -> memref<128xi32, #tpu.memory_space<hbm>>
        tpu.wait_dma2 semaphore(%run_scoped3A_275 : memref<!tpu.dma_semaphore, #tpu.memory_space<semaphore_mem>>) src(%dma_wait3A_283 : memref<128xi32, #tpu.memory_space<hbm>>) dst(%arg6 : memref<128xi32, #tpu.memory_space<vmem>>)
        tpu.yield
      }) : () -> ()
      %get3A_154 = arith.constant 0 : index
      %get3A_155 = tpu.vector_load %arg6[%get3A_154] {strides = array<i32>} : memref<128xi32, #tpu.memory_space<vmem>>, vector<16xi32>,
      %mul3A_156 = arith.constant 2 : i32
      %mul3A_157 = vector.broadcast %mul3A_156 : i32 to vector<16xi32>
      %mul3A_158 = arith.muli %get3A_155, %mul3A_157 : vector<16xi32>
      %swap3A_159 = arith.constant 0 : index
      %swap3A_160 = tpu.vector_load %arg6[%swap3A_159] {strides = array<i32>} : memref<128xi32, #tpu.memory_space<vmem>>, vector<16xi32>,
      tpu.vector_store %arg6[%swap3A_159], %mul3A_158 {strides = array<i32>} : memref<128xi32, #tpu.memory_space<vmem>>, vector<16xi32>,
      %get3A_161 = arith.constant 16 : index
      %get3A_162 = tpu.vector_load %arg6[%get3A_161] {strides = array<i32>} : memref<128xi32, #tpu.memory_space<vmem>>, vector<16xi32>,
      %mul3A_163 = arith.constant 2 : i32
      %mul3A_164 = vector.broadcast %mul3A_163 : i32 to vector<16xi32>
      %mul3A_165 = arith.muli %get3A_162, %mul3A_164 : vector<16xi32>
      %swap3A_166 = arith.constant 16 : index
      %swap3A_167 = tpu.vector_load %arg6[%swap3A_166] {strides = array<i32>} : memref<128xi32, #tpu.memory_space<vmem>>, vector<16xi32>,
      tpu.vector_store %arg6[%swap3A_166], %mul3A_165 {strides = array<i32>} : memref<128xi32, #tpu.memory_space<vmem>>, vector<16xi32>,
      %get3A_168 = arith.constant 32 : index
      %get3A_169 = tpu.vector_load %arg6[%get3A_168] {strides = array<i32>} : memref<128xi32, #tpu.memory_space<vmem>>, vector<16xi32>,
      %mul3A_170 = arith.constant 2 : i32
      %mul3A_171 = vector.broadcast %mul3A_170 : i32 to vector<16xi32>
      %mul3A_172 = arith.muli %get3A_169, %mul3A_171 : vector<16xi32>
      %swap3A_173 = arith.constant 32 : index
      %swap3A_174 = tpu.vector_load %arg6[%swap3A_173] {strides = array<i32>} : memref<128xi32, #tpu.memory_space<vmem>>, vector<16xi32>,
      tpu.vector_store %arg6[%swap3A_173], %mul3A_172 {strides = array<i32>} : memref<128xi32, #tpu.memory_space<vmem>>, vector<16xi32>,
      %get3A_175 = arith.constant 48 : index
      %get3A_176 = tpu.vector_load %arg6[%get3A_175] {strides = array<i32>} : memref<128xi32, #tpu.memory_space<vmem>>, vector<16xi32>,
      %mul3A_177 = arith.constant 2 : i32
      %mul3A_178 = vector.broadcast %mul3A_177 : i32 to vector<16xi32>
      %mul3A_179 = arith.muli %get3A_176, %mul3A_178 : vector<16xi32>
      %swap3A_180 = arith.constant 48 : index
      %swap3A_181 = tpu.vector_load %arg6[%swap3A_180] {strides = array<i32>} : memref<128xi32, #tpu.memory_space<vmem>>, vector<16xi32>,
      tpu.vector_store %arg6[%swap3A_180], %mul3A_179 {strides = array<i32>} : memref<128xi32, #tpu.memory_space<vmem>>, vector<16xi32>,
      %get3A_182 = arith.constant 64 : index
      %get3A_183 = tpu.vector_load %arg6[%get3A_182] {strides = array<i32>} : memref<128xi32, #tpu.memory_space<vmem>>, vector<16xi32>,
      %mul3A_184 = arith.constant 2 : i32
      %mul3A_185 = vector.broadcast %mul3A_184 : i32 to vector<16xi32>
      %mul3A_186 = arith.muli %get3A_183, %mul3A_185 : vector<16xi32>
      %swap3A_187 = arith.constant 64 : index
      %swap3A_188 = tpu.vector_load %arg6[%swap3A_187] {strides = array<i32>} : memref<128xi32, #tpu.memory_space<vmem>>, vector<16xi32>,
      tpu.vector_store %arg6[%swap3A_187], %mul3A_186 {strides = array<i32>} : memref<128xi32, #tpu.memory_space<vmem>>, vector<16xi32>,
      %get3A_189 = arith.constant 80 : index
      %get3A_190 = tpu.vector_load %arg6[%get3A_189] {strides = array<i32>} : memref<128xi32, #tpu.memory_space<vmem>>, vector<16xi32>,
      %mul3A_191 = arith.constant 2 : i32
      %mul3A_192 = vector.broadcast %mul3A_191 : i32 to vector<16xi32>
      %mul3A_193 = arith.muli %get3A_190, %mul3A_192 : vector<16xi32>
      %swap3A_194 = arith.constant 80 : index
      %swap3A_195 = tpu.vector_load %arg6[%swap3A_194] {strides = array<i32>} : memref<128xi32, #tpu.memory_space<vmem>>, vector<16xi32>,
      tpu.vector_store %arg6[%swap3A_194], %mul3A_193 {strides = array<i32>} : memref<128xi32, #tpu.memory_space<vmem>>, vector<16xi32>,
      %get3A_196 = arith.constant 96 : index
      %get3A_197 = tpu.vector_load %arg6[%get3A_196] {strides = array<i32>} : memref<128xi32, #tpu.memory_space<vmem>>, vector<16xi32>,
      %mul3A_198 = arith.constant 2 : i32
      %mul3A_199 = vector.broadcast %mul3A_198 : i32 to vector<16xi32>
      %mul3A_200 = arith.muli %get3A_197, %mul3A_199 : vector<16xi32>
      %swap3A_201 = arith.constant 96 : index
      %swap3A_202 = tpu.vector_load %arg6[%swap3A_201] {strides = array<i32>} : memref<128xi32, #tpu.memory_space<vmem>>, vector<16xi32>,
      tpu.vector_store %arg6[%swap3A_201], %mul3A_200 {strides = array<i32>} : memref<128xi32, #tpu.memory_space<vmem>>, vector<16xi32>,
      %get3A_203 = arith.constant 112 : index
      %get3A_204 = tpu.vector_load %arg6[%get3A_203] {strides = array<i32>} : memref<128xi32, #tpu.memory_space<vmem>>, vector<16xi32>,
      %mul3A_205 = arith.constant 2 : i32
      %mul3A_206 = vector.broadcast %mul3A_205 : i32 to vector<16xi32>
      %mul3A_207 = arith.muli %get3A_204, %mul3A_206 : vector<16xi32>
      %swap3A_208 = arith.constant 112 : index
      %swap3A_209 = tpu.vector_load %arg6[%swap3A_208] {strides = array<i32>} : memref<128xi32, #tpu.memory_space<vmem>>, vector<16xi32>,
      tpu.vector_store %arg6[%swap3A_208], %mul3A_207 {strides = array<i32>} : memref<128xi32, #tpu.memory_space<vmem>>, vector<16xi32>,
      %dma_start3A_210 = arith.constant 0 : i32
      %dma_start3A_211 = arith.constant 0 : i32
      %dma_start3A_212 = tpu.memref_slice %arg2[%dma_start3A_210, %dma_start3A_211] : memref<2000000x64xf32, #tpu.memory_space<hbm>> -> memref<2000000x64xf32, #tpu.memory_space<hbm>>
      tpu.enqueue_indirect_dma source(%dma_start3A_212 : memref<2000000x64xf32, #tpu.memory_space<hbm>>) target(%arg8 : memref<128x64xf32, #tpu.memory_space<vmem>>) offsets(%arg6 : memref<128xi32, #tpu.memory_space<vmem>>) semaphore(%arg12 : memref<!tpu.dma_semaphore, #tpu.memory_space<semaphore_mem>>)
      %dma_wait3A_213 = arith.constant 0 : i32
      %dma_wait3A_214 = arith.constant 0 : i32
      %dma_wait3A_215 = tpu.memref_slice %arg2[%dma_wait3A_213, %dma_wait3A_214] : memref<2000000x64xf32, #tpu.memory_space<hbm>> -> memref<2000000x64xf32, #tpu.memory_space<hbm>>
      tpu.wait_indirect_dma semaphore(%arg11 : memref<!tpu.dma_semaphore, #tpu.memory_space<semaphore_mem>>) src(%dma_wait3A_215 : memref<2000000x64xf32, #tpu.memory_space<hbm>>) dst(%arg7 : memref<128x64xf32, #tpu.memory_space<vmem>>)
      %ge3A = arith.constant 2 : i32
      %ge3A_216 = arith.cmpi sge, %add3A_151, %ge3A : i32
      %convert_element_type3A = arith.extui %ge3A_216 : i1 to i32
      %cond3A = arith.constant 0 : i32
      %cond3A_217 = arith.cmpi ne, %convert_element_type3A, %cond3A : i32
      scf.if %cond3A_217 {
        %sub3A = arith.constant 2 : i32
        %sub3A_275 = arith.subi %add3A_151, %sub3A : i32
        %dma_wait3A_276 = arith.constant 0 : i32
        %dma_wait3A_277 = arith.constant 0 : i32
        %dma_wait3A_278 = arith.constant 0 : i32
        %dma_wait3A_279 = tpu.memref_slice %arg9[%dma_wait3A_276, %dma_wait3A_277, %dma_wait3A_278] : memref<8x8x129xf32, #tpu.memory_space<vmem>> -> memref<8x8x128xf32, #tpu.memory_space<vmem>>
        %dma_wait3A_280 = arith.constant 0 : i32
        %dma_wait3A_281 = arith.constant 0 : i32
        %dma_wait3A_282 = arith.constant 0 : i32
        %dma_wait3A_283 = tpu.memref_slice %arg4[%sub3A_275, %dma_wait3A_280, %add3A, %dma_wait3A_281, %dma_wait3A_282] : memref<200x8x32x8x128xf32, #tpu.memory_space<hbm>> -> memref<1x8x1x8x128xf32, #tpu.memory_space<hbm>>
        %dma_wait3A_284 = tpu.memref_squeeze %dma_wait3A_283 : memref<1x8x1x8x128xf32, #tpu.memory_space<hbm>> -> memref<8x8x128xf32, #tpu.memory_space<hbm>>
        %dma_wait3A_285 = arith.constant 0 : i32
        %dma_wait3A_286 = arith.constant 0 : i32
        %dma_wait3A_287 = arith.constant 0 : i32
        %dma_wait3A_288 = tpu.memref_slice %arg4[%sub3A_275, %dma_wait3A_285, %add3A, %dma_wait3A_286, %dma_wait3A_287] : memref<200x8x32x8x128xf32, #tpu.memory_space<hbm>> -> memref<1x8x1x8x128xf32, #tpu.memory_space<hbm>>
        %dma_wait3A_289 = tpu.memref_squeeze %dma_wait3A_288 : memref<1x8x1x8x128xf32, #tpu.memory_space<hbm>> -> memref<8x8x128xf32, #tpu.memory_space<hbm>>
        %dma_wait3A_290 = arith.constant 0 : i32
        %dma_wait3A_291 = arith.constant 0 : i32
        %dma_wait3A_292 = arith.constant 0 : i32
        %dma_wait3A_293 = tpu.memref_slice %arg9[%dma_wait3A_290, %dma_wait3A_291, %dma_wait3A_292] : memref<8x8x129xf32, #tpu.memory_space<vmem>> -> memref<8x8x128xf32, #tpu.memory_space<vmem>>
        tpu.wait_dma2 semaphore(%arg13 : memref<!tpu.dma_semaphore, #tpu.memory_space<semaphore_mem>>) src(%dma_wait3A_293 : memref<8x8x128xf32, #tpu.memory_space<vmem>>) dst(%dma_wait3A_289 : memref<8x8x128xf32, #tpu.memory_space<hbm>>)
      } else {
      }
      %parallel_loop3A = arith.constant 0 : i32
      %parallel_loop3A_218 = arith.constant 128 : i32
      %parallel_loop3A_219 = arith.constant 1 : i32
      scf.for %parallel_loop3A_275 = %parallel_loop3A to %parallel_loop3A_218 step %parallel_loop3A_219  : i32 {
        %parallel_loop3A_276 = vector.broadcast %parallel_loop3A_275 : i32 to vector<16xi32>
        %parallel_loop3A_277 = arith.addi %broadcast_in_dim3A_3, %parallel_loop3A_276 : vector<16xi32>
        %parallel_loop3A_278 = arith.index_cast %parallel_loop3A_275 : i32 to index
        %parallel_loop3A_279 = arith.constant 0 : index
        %parallel_loop3A_280 = tpu.vector_load %arg7[%parallel_loop3A_278, %parallel_loop3A_279] {strides = array<i32>} : memref<128x64xf32, #tpu.memory_space<vmem>>, vector<16xf32>,
        tpu.vector_store_idx %arg9[%shift_right_logical3A_8, %and3A_31, %parallel_loop3A_277], %parallel_loop3A_280 : memref<8x8x129xf32, #tpu.memory_space<vmem>>[vector<16xi32>, vector<16xi32>, vector<16xi32>], vector<16xf32>,
        %parallel_loop3A_281 = arith.index_cast %parallel_loop3A_275 : i32 to index
        %parallel_loop3A_282 = arith.constant 16 : index
        %parallel_loop3A_283 = tpu.vector_load %arg7[%parallel_loop3A_281, %parallel_loop3A_282] {strides = array<i32>} : memref<128x64xf32, #tpu.memory_space<vmem>>, vector<16xf32>,
        tpu.vector_store_idx %arg9[%shift_right_logical3A_14, %and3A_37, %parallel_loop3A_277], %parallel_loop3A_283 : memref<8x8x129xf32, #tpu.memory_space<vmem>>[vector<16xi32>, vector<16xi32>, vector<16xi32>], vector<16xf32>,
        %parallel_loop3A_284 = arith.index_cast %parallel_loop3A_275 : i32 to index
        %parallel_loop3A_285 = arith.constant 32 : index
        %parallel_loop3A_286 = tpu.vector_load %arg7[%parallel_loop3A_284, %parallel_loop3A_285] {strides = array<i32>} : memref<128x64xf32, #tpu.memory_space<vmem>>, vector<16xf32>,
        tpu.vector_store_idx %arg9[%shift_right_logical3A_20, %and3A_43, %parallel_loop3A_277], %parallel_loop3A_286 : memref<8x8x129xf32, #tpu.memory_space<vmem>>[vector<16xi32>, vector<16xi32>, vector<16xi32>], vector<16xf32>,
        %parallel_loop3A_287 = arith.index_cast %parallel_loop3A_275 : i32 to index
        %parallel_loop3A_288 = arith.constant 48 : index
        %parallel_loop3A_289 = tpu.vector_load %arg7[%parallel_loop3A_287, %parallel_loop3A_288] {strides = array<i32>} : memref<128x64xf32, #tpu.memory_space<vmem>>, vector<16xf32>,
        tpu.vector_store_idx %arg9[%shift_right_logical3A_26, %and3A_49, %parallel_loop3A_277], %parallel_loop3A_289 : memref<8x8x129xf32, #tpu.memory_space<vmem>>[vector<16xi32>, vector<16xi32>, vector<16xi32>], vector<16xf32>,
      } {sc.loop_unroll_factor = 8 : i64, sc.parallel_access}
      %dma_start3A_220 = arith.constant 0 : i32
      %dma_start3A_221 = arith.constant 0 : i32
      %dma_start3A_222 = arith.constant 0 : i32
      %dma_start3A_223 = tpu.memref_slice %arg9[%dma_start3A_220, %dma_start3A_221, %dma_start3A_222] : memref<8x8x129xf32, #tpu.memory_space<vmem>> -> memref<8x8x128xf32, #tpu.memory_space<vmem>>
      %dma_start3A_224 = arith.constant 0 : i32
      %dma_start3A_225 = arith.constant 0 : i32
      %dma_start3A_226 = arith.constant 0 : i32
      %dma_start3A_227 = tpu.memref_slice %arg4[%add3A_151, %dma_start3A_224, %add3A, %dma_start3A_225, %dma_start3A_226] : memref<200x8x32x8x128xf32, #tpu.memory_space<hbm>> -> memref<1x8x1x8x128xf32, #tpu.memory_space<hbm>>
      %dma_start3A_228 = tpu.memref_squeeze %dma_start3A_227 : memref<1x8x1x8x128xf32, #tpu.memory_space<hbm>> -> memref<8x8x128xf32, #tpu.memory_space<hbm>>
      %dma_start3A_229 = arith.constant 0 : i32
      %dma_start3A_230 = arith.constant 0 : i32
      %dma_start3A_231 = arith.constant 0 : i32
      %dma_start3A_232 = tpu.memref_slice %arg4[%add3A_151, %dma_start3A_229, %add3A, %dma_start3A_230, %dma_start3A_231] : memref<200x8x32x8x128xf32, #tpu.memory_space<hbm>> -> memref<1x8x1x8x128xf32, #tpu.memory_space<hbm>>
      %dma_start3A_233 = tpu.memref_squeeze %dma_start3A_232 : memref<1x8x1x8x128xf32, #tpu.memory_space<hbm>> -> memref<8x8x128xf32, #tpu.memory_space<hbm>>
      %dma_start3A_234 = arith.constant 0 : i32
      %dma_start3A_235 = arith.constant 0 : i32
      %dma_start3A_236 = arith.constant 0 : i32
      %dma_start3A_237 = tpu.memref_slice %arg9[%dma_start3A_234, %dma_start3A_235, %dma_start3A_236] : memref<8x8x129xf32, #tpu.memory_space<vmem>> -> memref<8x8x128xf32, #tpu.memory_space<vmem>>
      tpu.enqueue_dma source(%dma_start3A_237 : memref<8x8x128xf32, #tpu.memory_space<vmem>>) target(%dma_start3A_233 : memref<8x8x128xf32, #tpu.memory_space<hbm>>) target_semaphore(%arg13 : memref<!tpu.dma_semaphore, #tpu.memory_space<semaphore_mem>>)
      %add3A_238 = arith.constant 2 : i32
      %add3A_239 = arith.addi %add3A_151, %add3A_238 : i32
      %lt3A = arith.constant 200 : i32
      %lt3A_240 = arith.cmpi slt, %add3A_239, %lt3A : i32
      %convert_element_type3A_241 = arith.extui %lt3A_240 : i1 to i32
      %cond3A_242 = arith.constant 0 : i32
      %cond3A_243 = arith.cmpi ne, %convert_element_type3A_241, %cond3A_242 : i32
      scf.if %cond3A_243 {
        %add3A_275 = arith.constant 2 : i32
        %add3A_276 = arith.addi %add3A_151, %add3A_275 : i32
        "tpu.region"() ({
          %run_scoped3A_336 = tpu.sem_alloc : memref<!tpu.dma_semaphore, #tpu.memory_space<semaphore_mem>>
          %dma_start3A_337 = tpu.memref_slice %arg3[%add3A_276, %mul3A_2] : memref<200x4096xi32, #tpu.memory_space<hbm>> -> memref<1x128xi32, #tpu.memory_space<hbm>>
          %dma_start3A_338 = tpu.memref_squeeze %dma_start3A_337 : memref<1x128xi32, #tpu.memory_space<hbm>> -> memref<128xi32, #tpu.memory_space<hbm>>
          %dma_start3A_339 = tpu.memref_slice %arg3[%add3A_276, %mul3A_2] : memref<200x4096xi32, #tpu.memory_space<hbm>> -> memref<1x128xi32, #tpu.memory_space<hbm>>
          %dma_start3A_340 = tpu.memref_squeeze %dma_start3A_339 : memref<1x128xi32, #tpu.memory_space<hbm>> -> memref<128xi32, #tpu.memory_space<hbm>>
          tpu.enqueue_dma source(%dma_start3A_340 : memref<128xi32, #tpu.memory_space<hbm>>) target(%arg5 : memref<128xi32, #tpu.memory_space<vmem>>) target_semaphore(%run_scoped3A_336 : memref<!tpu.dma_semaphore, #tpu.memory_space<semaphore_mem>>)
          %dma_wait3A_341 = tpu.memref_slice %arg3[%add3A_276, %mul3A_2] : memref<200x4096xi32, #tpu.memory_space<hbm>> -> memref<1x128xi32, #tpu.memory_space<hbm>>
          %dma_wait3A_342 = tpu.memref_squeeze %dma_wait3A_341 : memref<1x128xi32, #tpu.memory_space<hbm>> -> memref<128xi32, #tpu.memory_space<hbm>>
          %dma_wait3A_343 = tpu.memref_slice %arg3[%add3A_276, %mul3A_2] : memref<200x4096xi32, #tpu.memory_space<hbm>> -> memref<1x128xi32, #tpu.memory_space<hbm>>
          %dma_wait3A_344 = tpu.memref_squeeze %dma_wait3A_343 : memref<1x128xi32, #tpu.memory_space<hbm>> -> memref<128xi32, #tpu.memory_space<hbm>>
          tpu.wait_dma2 semaphore(%run_scoped3A_336 : memref<!tpu.dma_semaphore, #tpu.memory_space<semaphore_mem>>) src(%dma_wait3A_344 : memref<128xi32, #tpu.memory_space<hbm>>) dst(%arg5 : memref<128xi32, #tpu.memory_space<vmem>>)
          tpu.yield
        }) : () -> ()
        %get3A_277 = arith.constant 0 : index
        %get3A_278 = tpu.vector_load %arg5[%get3A_277] {strides = array<i32>} : memref<128xi32, #tpu.memory_space<vmem>>, vector<16xi32>,
        %mul3A_279 = arith.constant 2 : i32
        %mul3A_280 = vector.broadcast %mul3A_279 : i32 to vector<16xi32>
        %mul3A_281 = arith.muli %get3A_278, %mul3A_280 : vector<16xi32>
        %swap3A_282 = arith.constant 0 : index
        %swap3A_283 = tpu.vector_load %arg5[%swap3A_282] {strides = array<i32>} : memref<128xi32, #tpu.memory_space<vmem>>, vector<16xi32>,
        tpu.vector_store %arg5[%swap3A_282], %mul3A_281 {strides = array<i32>} : memref<128xi32, #tpu.memory_space<vmem>>, vector<16xi32>,
        %get3A_284 = arith.constant 16 : index
        %get3A_285 = tpu.vector_load %arg5[%get3A_284] {strides = array<i32>} : memref<128xi32, #tpu.memory_space<vmem>>, vector<16xi32>,
        %mul3A_286 = arith.constant 2 : i32
        %mul3A_287 = vector.broadcast %mul3A_286 : i32 to vector<16xi32>
        %mul3A_288 = arith.muli %get3A_285, %mul3A_287 : vector<16xi32>
        %swap3A_289 = arith.constant 16 : index
        %swap3A_290 = tpu.vector_load %arg5[%swap3A_289] {strides = array<i32>} : memref<128xi32, #tpu.memory_space<vmem>>, vector<16xi32>,
        tpu.vector_store %arg5[%swap3A_289], %mul3A_288 {strides = array<i32>} : memref<128xi32, #tpu.memory_space<vmem>>, vector<16xi32>,
        %get3A_291 = arith.constant 32 : index
        %get3A_292 = tpu.vector_load %arg5[%get3A_291] {strides = array<i32>} : memref<128xi32, #tpu.memory_space<vmem>>, vector<16xi32>,
        %mul3A_293 = arith.constant 2 : i32
        %mul3A_294 = vector.broadcast %mul3A_293 : i32 to vector<16xi32>
        %mul3A_295 = arith.muli %get3A_292, %mul3A_294 : vector<16xi32>
        %swap3A_296 = arith.constant 32 : index
        %swap3A_297 = tpu.vector_load %arg5[%swap3A_296] {strides = array<i32>} : memref<128xi32, #tpu.memory_space<vmem>>, vector<16xi32>,
        tpu.vector_store %arg5[%swap3A_296], %mul3A_295 {strides = array<i32>} : memref<128xi32, #tpu.memory_space<vmem>>, vector<16xi32>,
        %get3A_298 = arith.constant 48 : index
        %get3A_299 = tpu.vector_load %arg5[%get3A_298] {strides = array<i32>} : memref<128xi32, #tpu.memory_space<vmem>>, vector<16xi32>,
        %mul3A_300 = arith.constant 2 : i32
        %mul3A_301 = vector.broadcast %mul3A_300 : i32 to vector<16xi32>
        %mul3A_302 = arith.muli %get3A_299, %mul3A_301 : vector<16xi32>
        %swap3A_303 = arith.constant 48 : index
        %swap3A_304 = tpu.vector_load %arg5[%swap3A_303] {strides = array<i32>} : memref<128xi32, #tpu.memory_space<vmem>>, vector<16xi32>,
        tpu.vector_store %arg5[%swap3A_303], %mul3A_302 {strides = array<i32>} : memref<128xi32, #tpu.memory_space<vmem>>, vector<16xi32>,
        %get3A_305 = arith.constant 64 : index
        %get3A_306 = tpu.vector_load %arg5[%get3A_305] {strides = array<i32>} : memref<128xi32, #tpu.memory_space<vmem>>, vector<16xi32>,
        %mul3A_307 = arith.constant 2 : i32
        %mul3A_308 = vector.broadcast %mul3A_307 : i32 to vector<16xi32>
        %mul3A_309 = arith.muli %get3A_306, %mul3A_308 : vector<16xi32>
        %swap3A_310 = arith.constant 64 : index
        %swap3A_311 = tpu.vector_load %arg5[%swap3A_310] {strides = array<i32>} : memref<128xi32, #tpu.memory_space<vmem>>, vector<16xi32>,
        tpu.vector_store %arg5[%swap3A_310], %mul3A_309 {strides = array<i32>} : memref<128xi32, #tpu.memory_space<vmem>>, vector<16xi32>,
        %get3A_312 = arith.constant 80 : index
        %get3A_313 = tpu.vector_load %arg5[%get3A_312] {strides = array<i32>} : memref<128xi32, #tpu.memory_space<vmem>>, vector<16xi32>,
        %mul3A_314 = arith.constant 2 : i32
        %mul3A_315 = vector.broadcast %mul3A_314 : i32 to vector<16xi32>
        %mul3A_316 = arith.muli %get3A_313, %mul3A_315 : vector<16xi32>
        %swap3A_317 = arith.constant 80 : index
        %swap3A_318 = tpu.vector_load %arg5[%swap3A_317] {strides = array<i32>} : memref<128xi32, #tpu.memory_space<vmem>>, vector<16xi32>,
        tpu.vector_store %arg5[%swap3A_317], %mul3A_316 {strides = array<i32>} : memref<128xi32, #tpu.memory_space<vmem>>, vector<16xi32>,
        %get3A_319 = arith.constant 96 : index
        %get3A_320 = tpu.vector_load %arg5[%get3A_319] {strides = array<i32>} : memref<128xi32, #tpu.memory_space<vmem>>, vector<16xi32>,
        %mul3A_321 = arith.constant 2 : i32
        %mul3A_322 = vector.broadcast %mul3A_321 : i32 to vector<16xi32>
        %mul3A_323 = arith.muli %get3A_320, %mul3A_322 : vector<16xi32>
        %swap3A_324 = arith.constant 96 : index
        %swap3A_325 = tpu.vector_load %arg5[%swap3A_324] {strides = array<i32>} : memref<128xi32, #tpu.memory_space<vmem>>, vector<16xi32>,
        tpu.vector_store %arg5[%swap3A_324], %mul3A_323 {strides = array<i32>} : memref<128xi32, #tpu.memory_space<vmem>>, vector<16xi32>,
        %get3A_326 = arith.constant 112 : index
        %get3A_327 = tpu.vector_load %arg5[%get3A_326] {strides = array<i32>} : memref<128xi32, #tpu.memory_space<vmem>>, vector<16xi32>,
        %mul3A_328 = arith.constant 2 : i32
        %mul3A_329 = vector.broadcast %mul3A_328 : i32 to vector<16xi32>
        %mul3A_330 = arith.muli %get3A_327, %mul3A_329 : vector<16xi32>
        %swap3A_331 = arith.constant 112 : index
        %swap3A_332 = tpu.vector_load %arg5[%swap3A_331] {strides = array<i32>} : memref<128xi32, #tpu.memory_space<vmem>>, vector<16xi32>,
        tpu.vector_store %arg5[%swap3A_331], %mul3A_330 {strides = array<i32>} : memref<128xi32, #tpu.memory_space<vmem>>, vector<16xi32>,
        %dma_start3A_333 = arith.constant 0 : i32
        %dma_start3A_334 = arith.constant 0 : i32
        %dma_start3A_335 = tpu.memref_slice %arg2[%dma_start3A_333, %dma_start3A_334] : memref<2000000x64xf32, #tpu.memory_space<hbm>> -> memref<2000000x64xf32, #tpu.memory_space<hbm>>
        tpu.enqueue_indirect_dma source(%dma_start3A_335 : memref<2000000x64xf32, #tpu.memory_space<hbm>>) target(%arg7 : memref<128x64xf32, #tpu.memory_space<vmem>>) offsets(%arg5 : memref<128xi32, #tpu.memory_space<vmem>>) semaphore(%arg11 : memref<!tpu.dma_semaphore, #tpu.memory_space<semaphore_mem>>)
      } else {
      }
      %dma_wait3A_244 = arith.constant 0 : i32
      %dma_wait3A_245 = arith.constant 0 : i32
      %dma_wait3A_246 = tpu.memref_slice %arg2[%dma_wait3A_244, %dma_wait3A_245] : memref<2000000x64xf32, #tpu.memory_space<hbm>> -> memref<2000000x64xf32, #tpu.memory_space<hbm>>
      tpu.wait_indirect_dma semaphore(%arg12 : memref<!tpu.dma_semaphore, #tpu.memory_space<semaphore_mem>>) src(%dma_wait3A_246 : memref<2000000x64xf32, #tpu.memory_space<hbm>>) dst(%arg8 : memref<128x64xf32, #tpu.memory_space<vmem>>)
      %ge3A_247 = arith.constant 2 : i32
      %ge3A_248 = arith.cmpi sge, %add3A_151, %ge3A_247 : i32
      %convert_element_type3A_249 = arith.extui %ge3A_248 : i1 to i32
      %cond3A_250 = arith.constant 0 : i32
      %cond3A_251 = arith.cmpi ne, %convert_element_type3A_249, %cond3A_250 : i32
      scf.if %cond3A_251 {
        %sub3A = arith.constant 1 : i32
        %sub3A_275 = arith.subi %add3A_151, %sub3A : i32
        %dma_wait3A_276 = arith.constant 0 : i32
        %dma_wait3A_277 = arith.constant 0 : i32
        %dma_wait3A_278 = arith.constant 0 : i32
        %dma_wait3A_279 = tpu.memref_slice %arg10[%dma_wait3A_276, %dma_wait3A_277, %dma_wait3A_278] : memref<8x8x129xf32, #tpu.memory_space<vmem>> -> memref<8x8x128xf32, #tpu.memory_space<vmem>>
        %dma_wait3A_280 = arith.constant 0 : i32
        %dma_wait3A_281 = arith.constant 0 : i32
        %dma_wait3A_282 = arith.constant 0 : i32
        %dma_wait3A_283 = tpu.memref_slice %arg4[%sub3A_275, %dma_wait3A_280, %add3A, %dma_wait3A_281, %dma_wait3A_282] : memref<200x8x32x8x128xf32, #tpu.memory_space<hbm>> -> memref<1x8x1x8x128xf32, #tpu.memory_space<hbm>>
        %dma_wait3A_284 = tpu.memref_squeeze %dma_wait3A_283 : memref<1x8x1x8x128xf32, #tpu.memory_space<hbm>> -> memref<8x8x128xf32, #tpu.memory_space<hbm>>
        %dma_wait3A_285 = arith.constant 0 : i32
        %dma_wait3A_286 = arith.constant 0 : i32
        %dma_wait3A_287 = arith.constant 0 : i32
        %dma_wait3A_288 = tpu.memref_slice %arg4[%sub3A_275, %dma_wait3A_285, %add3A, %dma_wait3A_286, %dma_wait3A_287] : memref<200x8x32x8x128xf32, #tpu.memory_space<hbm>> -> memref<1x8x1x8x128xf32, #tpu.memory_space<hbm>>
        %dma_wait3A_289 = tpu.memref_squeeze %dma_wait3A_288 : memref<1x8x1x8x128xf32, #tpu.memory_space<hbm>> -> memref<8x8x128xf32, #tpu.memory_space<hbm>>
        %dma_wait3A_290 = arith.constant 0 : i32
        %dma_wait3A_291 = arith.constant 0 : i32
        %dma_wait3A_292 = arith.constant 0 : i32
        %dma_wait3A_293 = tpu.memref_slice %arg10[%dma_wait3A_290, %dma_wait3A_291, %dma_wait3A_292] : memref<8x8x129xf32, #tpu.memory_space<vmem>> -> memref<8x8x128xf32, #tpu.memory_space<vmem>>
        tpu.wait_dma2 semaphore(%arg14 : memref<!tpu.dma_semaphore, #tpu.memory_space<semaphore_mem>>) src(%dma_wait3A_293 : memref<8x8x128xf32, #tpu.memory_space<vmem>>) dst(%dma_wait3A_289 : memref<8x8x128xf32, #tpu.memory_space<hbm>>)
      } else {
      }
      %add3A_252 = arith.constant 1 : i32
      %add3A_253 = arith.addi %add3A_151, %add3A_252 : i32
      %parallel_loop3A_254 = arith.constant 0 : i32
      %parallel_loop3A_255 = arith.constant 128 : i32
      %parallel_loop3A_256 = arith.constant 1 : i32
      scf.for %parallel_loop3A_275 = %parallel_loop3A_254 to %parallel_loop3A_255 step %parallel_loop3A_256  : i32 {
        %parallel_loop3A_276 = vector.broadcast %parallel_loop3A_275 : i32 to vector<16xi32>
        %parallel_loop3A_277 = arith.addi %broadcast_in_dim3A_3, %parallel_loop3A_276 : vector<16xi32>
        %parallel_loop3A_278 = arith.index_cast %parallel_loop3A_275 : i32 to index
        %parallel_loop3A_279 = arith.constant 0 : index
        %parallel_loop3A_280 = tpu.vector_load %arg8[%parallel_loop3A_278, %parallel_loop3A_279] {strides = array<i32>} : memref<128x64xf32, #tpu.memory_space<vmem>>, vector<16xf32>,
        tpu.vector_store_idx %arg10[%shift_right_logical3A_8, %and3A_31, %parallel_loop3A_277], %parallel_loop3A_280 : memref<8x8x129xf32, #tpu.memory_space<vmem>>[vector<16xi32>, vector<16xi32>, vector<16xi32>], vector<16xf32>,
        %parallel_loop3A_281 = arith.index_cast %parallel_loop3A_275 : i32 to index
        %parallel_loop3A_282 = arith.constant 16 : index
        %parallel_loop3A_283 = tpu.vector_load %arg8[%parallel_loop3A_281, %parallel_loop3A_282] {strides = array<i32>} : memref<128x64xf32, #tpu.memory_space<vmem>>, vector<16xf32>,
        tpu.vector_store_idx %arg10[%shift_right_logical3A_14, %and3A_37, %parallel_loop3A_277], %parallel_loop3A_283 : memref<8x8x129xf32, #tpu.memory_space<vmem>>[vector<16xi32>, vector<16xi32>, vector<16xi32>], vector<16xf32>,
        %parallel_loop3A_284 = arith.index_cast %parallel_loop3A_275 : i32 to index
        %parallel_loop3A_285 = arith.constant 32 : index
        %parallel_loop3A_286 = tpu.vector_load %arg8[%parallel_loop3A_284, %parallel_loop3A_285] {strides = array<i32>} : memref<128x64xf32, #tpu.memory_space<vmem>>, vector<16xf32>,
        tpu.vector_store_idx %arg10[%shift_right_logical3A_20, %and3A_43, %parallel_loop3A_277], %parallel_loop3A_286 : memref<8x8x129xf32, #tpu.memory_space<vmem>>[vector<16xi32>, vector<16xi32>, vector<16xi32>], vector<16xf32>,
        %parallel_loop3A_287 = arith.index_cast %parallel_loop3A_275 : i32 to index
        %parallel_loop3A_288 = arith.constant 48 : index
        %parallel_loop3A_289 = tpu.vector_load %arg8[%parallel_loop3A_287, %parallel_loop3A_288] {strides = array<i32>} : memref<128x64xf32, #tpu.memory_space<vmem>>, vector<16xf32>,
        tpu.vector_store_idx %arg10[%shift_right_logical3A_26, %and3A_49, %parallel_loop3A_277], %parallel_loop3A_289 : memref<8x8x129xf32, #tpu.memory_space<vmem>>[vector<16xi32>, vector<16xi32>, vector<16xi32>], vector<16xf32>,
      } {sc.loop_unroll_factor = 8 : i64, sc.parallel_access}
      %dma_start3A_257 = arith.constant 0 : i32
      %dma_start3A_258 = arith.constant 0 : i32
      %dma_start3A_259 = arith.constant 0 : i32
      %dma_start3A_260 = tpu.memref_slice %arg10[%dma_start3A_257, %dma_start3A_258, %dma_start3A_259] : memref<8x8x129xf32, #tpu.memory_space<vmem>> -> memref<8x8x128xf32, #tpu.memory_space<vmem>>
      %dma_start3A_261 = arith.constant 0 : i32
      %dma_start3A_262 = arith.constant 0 : i32
      %dma_start3A_263 = arith.constant 0 : i32
      %dma_start3A_264 = tpu.memref_slice %arg4[%add3A_253, %dma_start3A_261, %add3A, %dma_start3A_262, %dma_start3A_263] : memref<200x8x32x8x128xf32, #tpu.memory_space<hbm>> -> memref<1x8x1x8x128xf32, #tpu.memory_space<hbm>>
      %dma_start3A_265 = tpu.memref_squeeze %dma_start3A_264 : memref<1x8x1x8x128xf32, #tpu.memory_space<hbm>> -> memref<8x8x128xf32, #tpu.memory_space<hbm>>
      %dma_start3A_266 = arith.constant 0 : i32
      %dma_start3A_267 = arith.constant 0 : i32
      %dma_start3A_268 = arith.constant 0 : i32
      %dma_start3A_269 = tpu.memref_slice %arg4[%add3A_253, %dma_start3A_266, %add3A, %dma_start3A_267, %dma_start3A_268] : memref<200x8x32x8x128xf32, #tpu.memory_space<hbm>> -> memref<1x8x1x8x128xf32, #tpu.memory_space<hbm>>
      %dma_start3A_270 = tpu.memref_squeeze %dma_start3A_269 : memref<1x8x1x8x128xf32, #tpu.memory_space<hbm>> -> memref<8x8x128xf32, #tpu.memory_space<hbm>>
      %dma_start3A_271 = arith.constant 0 : i32
      %dma_start3A_272 = arith.constant 0 : i32
      %dma_start3A_273 = arith.constant 0 : i32
      %dma_start3A_274 = tpu.memref_slice %arg10[%dma_start3A_271, %dma_start3A_272, %dma_start3A_273] : memref<8x8x129xf32, #tpu.memory_space<vmem>> -> memref<8x8x128xf32, #tpu.memory_space<vmem>>
      tpu.enqueue_dma source(%dma_start3A_274 : memref<8x8x128xf32, #tpu.memory_space<vmem>>) target(%dma_start3A_270 : memref<8x8x128xf32, #tpu.memory_space<hbm>>) target_semaphore(%arg14 : memref<!tpu.dma_semaphore, #tpu.memory_space<semaphore_mem>>)
    }
    %scan3A_109 = arith.constant 100 : i32
    %dma_wait3A = arith.constant 198 : i32
    %dma_wait3A_110 = arith.constant 0 : i32
    %dma_wait3A_111 = arith.constant 0 : i32
    %dma_wait3A_112 = arith.constant 0 : i32
    %dma_wait3A_113 = tpu.memref_slice %arg9[%dma_wait3A_110, %dma_wait3A_111, %dma_wait3A_112] : memref<8x8x129xf32, #tpu.memory_space<vmem>> -> memref<8x8x128xf32, #tpu.memory_space<vmem>>
    %dma_wait3A_114 = arith.constant 0 : i32
    %dma_wait3A_115 = arith.constant 0 : i32
    %dma_wait3A_116 = arith.constant 0 : i32
    %dma_wait3A_117 = tpu.memref_slice %arg4[%dma_wait3A, %dma_wait3A_114, %add3A, %dma_wait3A_115, %dma_wait3A_116] : memref<200x8x32x8x128xf32, #tpu.memory_space<hbm>> -> memref<1x8x1x8x128xf32, #tpu.memory_space<hbm>>
    %dma_wait3A_118 = tpu.memref_squeeze %dma_wait3A_117 : memref<1x8x1x8x128xf32, #tpu.memory_space<hbm>> -> memref<8x8x128xf32, #tpu.memory_space<hbm>>
    %dma_wait3A_119 = arith.constant 0 : i32
    %dma_wait3A_120 = arith.constant 0 : i32
    %dma_wait3A_121 = arith.constant 0 : i32
    %dma_wait3A_122 = tpu.memref_slice %arg4[%dma_wait3A, %dma_wait3A_119, %add3A, %dma_wait3A_120, %dma_wait3A_121] : memref<200x8x32x8x128xf32, #tpu.memory_space<hbm>> -> memref<1x8x1x8x128xf32, #tpu.memory_space<hbm>>
    %dma_wait3A_123 = tpu.memref_squeeze %dma_wait3A_122 : memref<1x8x1x8x128xf32, #tpu.memory_space<hbm>> -> memref<8x8x128xf32, #tpu.memory_space<hbm>>
    %dma_wait3A_124 = arith.constant 0 : i32
    %dma_wait3A_125 = arith.constant 0 : i32
    %dma_wait3A_126 = arith.constant 0 : i32
    %dma_wait3A_127 = tpu.memref_slice %arg9[%dma_wait3A_124, %dma_wait3A_125, %dma_wait3A_126] : memref<8x8x129xf32, #tpu.memory_space<vmem>> -> memref<8x8x128xf32, #tpu.memory_space<vmem>>
    tpu.wait_dma2 semaphore(%arg13 : memref<!tpu.dma_semaphore, #tpu.memory_space<semaphore_mem>>) src(%dma_wait3A_127 : memref<8x8x128xf32, #tpu.memory_space<vmem>>) dst(%dma_wait3A_123 : memref<8x8x128xf32, #tpu.memory_space<hbm>>)
    %dma_wait3A_128 = arith.constant 199 : i32
    %dma_wait3A_129 = arith.constant 0 : i32
    %dma_wait3A_130 = arith.constant 0 : i32
    %dma_wait3A_131 = arith.constant 0 : i32
    %dma_wait3A_132 = tpu.memref_slice %arg10[%dma_wait3A_129, %dma_wait3A_130, %dma_wait3A_131] : memref<8x8x129xf32, #tpu.memory_space<vmem>> -> memref<8x8x128xf32, #tpu.memory_space<vmem>>
    %dma_wait3A_133 = arith.constant 0 : i32
    %dma_wait3A_134 = arith.constant 0 : i32
    %dma_wait3A_135 = arith.constant 0 : i32
    %dma_wait3A_136 = tpu.memref_slice %arg4[%dma_wait3A_128, %dma_wait3A_133, %add3A, %dma_wait3A_134, %dma_wait3A_135] : memref<200x8x32x8x128xf32, #tpu.memory_space<hbm>> -> memref<1x8x1x8x128xf32, #tpu.memory_space<hbm>>
    %dma_wait3A_137 = tpu.memref_squeeze %dma_wait3A_136 : memref<1x8x1x8x128xf32, #tpu.memory_space<hbm>> -> memref<8x8x128xf32, #tpu.memory_space<hbm>>
    %dma_wait3A_138 = arith.constant 0 : i32
    %dma_wait3A_139 = arith.constant 0 : i32
    %dma_wait3A_140 = arith.constant 0 : i32
    %dma_wait3A_141 = tpu.memref_slice %arg4[%dma_wait3A_128, %dma_wait3A_138, %add3A, %dma_wait3A_139, %dma_wait3A_140] : memref<200x8x32x8x128xf32, #tpu.memory_space<hbm>> -> memref<1x8x1x8x128xf32, #tpu.memory_space<hbm>>
    %dma_wait3A_142 = tpu.memref_squeeze %dma_wait3A_141 : memref<1x8x1x8x128xf32, #tpu.memory_space<hbm>> -> memref<8x8x128xf32, #tpu.memory_space<hbm>>
    %dma_wait3A_143 = arith.constant 0 : i32
    %dma_wait3A_144 = arith.constant 0 : i32
    %dma_wait3A_145 = arith.constant 0 : i32
    %dma_wait3A_146 = tpu.memref_slice %arg10[%dma_wait3A_143, %dma_wait3A_144, %dma_wait3A_145] : memref<8x8x129xf32, #tpu.memory_space<vmem>> -> memref<8x8x128xf32, #tpu.memory_space<vmem>>
    tpu.wait_dma2 semaphore(%arg14 : memref<!tpu.dma_semaphore, #tpu.memory_space<semaphore_mem>>) src(%dma_wait3A_146 : memref<8x8x128xf32, #tpu.memory_space<vmem>>) dst(%dma_wait3A_142 : memref<8x8x128xf32, #tpu.memory_space<hbm>>)
    return
  }
}

module attributes {stable_mosaic.version = 14 : i64} {
  func.func @_fmt_body(%arg0: i32, %arg1: memref<64x8192xf32, #tpu.memory_space<vmem>>, %arg2: memref<8192x128xf32, #tpu.memory_space<vmem>>) attributes {dimension_semantics = [#tpu.dimension_semantics<arbitrary>], iteration_bounds = array<i64: 123>, scalar_prefetch = 0 : i64, scratch_operands = 0 : i64, tpu.core_type = #tpu.core_type<tc>, window_params = [{transform_indices = @transform_0, window_bounds = array<i64: 64, 8192>}, {transform_indices = @transform_1, window_bounds = array<i64: 8192, 128>}]} {
    %get3A = arith.constant 0 : index
    %get3A_0 = arith.constant 0 : index
    %get3A_1 = vector.load %arg1[%get3A, %get3A_0] : memref<64x8192xf32, #tpu.memory_space<vmem>>, vector<64x8192xf32>
    %transpose3A = tpu.transpose %get3A_1, [1, 0] : vector<64x8192xf32> -> vector<8192x64xf32>
    %mul3A = arith.constant 8.000000e+00 : f32
    %mul3A_2 = vector.broadcast %mul3A : f32 to vector<8192x64xf32>
    %mul3A_3 = arith.mulf %transpose3A, %mul3A_2 : vector<8192x64xf32>
    %jit3A = arith.constant 0 : i32
    %convert_element_type3A = arith.sitofp %jit3A : i32 to f32
    %pad3A = vector.broadcast %convert_element_type3A : f32 to vector<8192x64xf32>
    %pad3A_4 = tpu.concatenate %mul3A_3, %pad3A in 1 : vector<8192x64xf32>, vector<8192x64xf32> -> vector<8192x128xf32>
    %swap3A = arith.constant 0 : index
    %swap3A_5 = arith.constant 0 : index
    %swap3A_6 = vector.load %arg2[%swap3A, %swap3A_5] : memref<8192x128xf32, #tpu.memory_space<vmem>>, vector<8192x128xf32>
    tpu.vector_store %arg2[%swap3A, %swap3A_5], %pad3A_4 {strides = array<i32>} : memref<8192x128xf32, #tpu.memory_space<vmem>>, vector<8192x128xf32>,
    return
  }
  func.func @transform_0(%arg0: i32) -> (i32, i32) {
    %c0_i32 = arith.constant 0 : i32
    %c0_i32_0 = arith.constant 0 : i32
    return %c0_i32, %arg0 : i32, i32
  }
  func.func @transform_1(%arg0: i32) -> (i32, i32) {
    %c0_i32 = arith.constant 0 : i32
    %c0_i32_0 = arith.constant 0 : i32
    return %arg0, %c0_i32 : i32, i32
  }
}

</mosaic_0001>

<sc_bundles>
// kernel: kernel.4.cloned.1.call-start
scs
__scs_entry_jumppad:
0x0: {  	(pc) =	sbr.rel $0x88, $3  }
0x1: {  	(tag) =	ssettag $0x0;
	lr =	simm.s32 $0x1  }
0x2: {  	[smem:$0x3F9F] =	sst lr;
	_ =	strace $0xD0000000  }
0x3: {  	_ = 	snop  }
0x4: {  	_ = 	snop  }
0x5: {  	_ = 	snop  }
0x6: {  	_ = 	snop  }
0x7: {  	_ = 	snop  }
__scs_overlays_trampoline_lowered:
0x8: {  	[smem:$0x3FAE] =	sst s0  }
0x9: {  	[smem:$0x3FAF] =	sst s1  }
0xa: {  	[smem:$0x3FB0] =	sst s2  }
0xb: {  	[smem:$0x3FB1] =	sst s3  }
0xc: {  	[smem:$0x3FB2] =	sst s4  }
0xd: {  	[smem:$0x3FB3] =	sst s5  }
0xe: {  	[smem:$0x3FB4] =	sst s6  }
0xf: {  	[smem:$0x3FB5] =	sst s7  }
0x10: {  	[smem:$0x3FB6] =	sst s8  }
0x11: {  	[smem:$0x3FB7] =	sst s9;
	s0 =	simm.s32 @!p0 $0x0  }
0x12: {  	s1 =	sld [smem:$0x3F9D];
	s0 =	simm.s32 @p0 $0x1  }
0x13: {  	[smem:$0x3FB8] =	sst s0;
	s0 =	simm.s32 @!p1 $0x0  }
0x14: {  	s2 =	sld [smem:$0x3F9C];
	s0 =	simm.s32 @p1 $0x1  }
0x15: {  	[smem:$0x3FB9] =	sst s0;
	s0 =	simm.s32 @!p2 $0x0  }
0x16: {  	s3 =	sld [smem:$0x3FDB];
	s0 =	simm.s32 @p2 $0x1  }
0x17: {  	s4 =	simm.s32 $0x1BF5;
	[smem:$0x3FBB] =	sst s0  }
0x18: {  	s0 =	sld [smem:$0x3F9E];
	_ =	swait.ge [sflag:s4], $0x0  }
0x19: {  	s7 =	sld [smem:$0x3F9F]  }
0x1a: {  	s8 =	sadd.s32 $0xFFFFE003, lr  }
0x1b: {  	s9 =	sadd.s32 $0xFFFFFEF7, lr;
	s5 =	simm.s32 $0xFFFFFFFF;
	p2 =	slt.u32 s8, $0xFFFFF086  }
0x1c: {  	p1 =	slt.u32 s9, $0xF7A;
	s5 =	simm.s32 @!p2 $0x0  }
0x1d: {  	s5 =	simm.s32 @p1 $0x1;
	p0 =	seq.s32 s7, s2  }
0x1e: {  	s7 =	smul.u32 @!p0 $0xF7A, s2;
	p2 =	seq.s32 @!p0 s5, $0x0  }
0x1f: {  	s9 =	smul.u32 $0xF7A, s1;
	s8 =	simm.s32 @!p0 $0x1BF5;
	p2 =	por !p2, p0  }
0x20: {  	[sflag:s8] =	ssyncset.s32 @!p0 $0xFFFFF086;
	s6 =	sadd.s32 @!p0 s3, s7;
	s7 =	simm.s32 @!p0 $0x108  }
0x21: {  	s3 =	sadd.s32 s3, s9;
	s6 =	sadd.s32 @!p0 $0x88, s6;
	s7 =	simm.s32 @p2 $0x1082  }
0x22: {  	[simem:s7], [sflag:s8] =	dma.local @!p0 [hbm:s6], $0xF7A  }
0x23: {  	s9 =	sor.u32 $0xD0000000, s2;
	s6 =	simm.s32 $0x108;
	_ =	swait.ge @!p0 [sflag:s8], $0x0  }
0x24: {  	s3 =	sadd.s32 $0x88, s3;
	s6 =	simm.s32 @!p1 $0x1082;
	[sflag:s4] =	ssyncset.s32 $0xFFFFF086  }
0x25: {  	[simem:s6], [sflag:s4] =	dma.local [hbm:s3], $0xF7A  }
0x26: {  	[smem:$0x3F9F] =	sst s1;
	(tag) =	ssettag s2;
	_ =	strace s9  }
0x27: {  	s1 =	sld [smem:$0x3FAF]  }
0x28: {  	s2 =	sld [smem:$0x3FB0]  }
0x29: {  	s4 =	sld [smem:$0x3FB2]  }
0x2a: {  	p0 =	seq.s32 s5, $0x0;
	s5 =	sld [smem:$0x3FB3]  }
0x2b: {  	s6 =	sld [smem:$0x3FB4]  }
0x2c: {  	s7 =	sld [smem:$0x3FB5]  }
0x2d: {  	s3 =	simm.s32 $0x108;
	s8 =	sld [smem:$0x3FB6]  }
0x2e: {  	s3 =	simm.s32 @!p0 $0x1082;
	s9 =	sld [smem:$0x3FB7]  }
0x2f: {  	lr =	sadd.s32 s0, s3;
	s0 =	sld [smem:$0x3FAE]  }
0x30: {  	s3 =	sld [smem:$0x3FB1]  }
0x31: {  	[smem:$0x3FBA] =	sst s10  }
0x32: {  	s10 =	sld [smem:$0x3FB8];
	_ =	sdelay $0x3  }
0x33: {  	p0 =	seq.s32 s10, $0x1;
	s10 =	sld [smem:$0x3FBA];
	_ =	sdelay $0x3  }
0x34: {  	[smem:$0x3FBA] =	sst s10  }
0x35: {  	s10 =	sld [smem:$0x3FB9];
	_ =	sdelay $0x3  }
0x36: {  	p1 =	seq.s32 s10, $0x1;
	s10 =	sld [smem:$0x3FBA];
	_ =	sdelay $0x3  }
0x37: {  	[smem:$0x3FBA] =	sst s10  }
0x38: {  	s10 =	sld [smem:$0x3FBB]  }
0x39: {  	_ = 	snop;
	(pc) =	sbr.ind lr, $3  }
0x3a: {  	_ = 	snop  }
0x3b: {  	_ = 	snop  }
0x3c: {  	p2 =	seq.s32 s10, $0x1;
	s10 =	sld [smem:$0x3FBA]  }
0x3d: {  	_ =	shalt  }
0x3e: {  	_ =	shalt  }
0x3f: {  	_ =	shalt  }
0x40: {  	_ =	shalt  }
0x41: {  	_ =	shalt  }
0x42: {  	_ =	shalt  }
0x43: {  	_ =	shalt  }
0x44: {  	_ =	shalt  }
0x45: {  	_ =	shalt  }
0x46: {  	_ =	shalt  }
0x47: {  	_ =	shalt  }
0x48: {  	_ =	shalt  }
0x49: {  	_ =	shalt  }
0x4a: {  	_ =	shalt  }
0x4b: {  	_ =	shalt  }
0x4c: {  	_ =	shalt  }
0x4d: {  	_ =	shalt  }
0x4e: {  	_ =	shalt  }
0x4f: {  	_ =	shalt  }
0x50: {  	_ =	shalt  }
0x51: {  	_ =	shalt  }
0x52: {  	_ =	shalt  }
0x53: {  	_ =	shalt  }
0x54: {  	_ =	shalt  }
0x55: {  	_ =	shalt  }
0x56: {  	_ =	shalt  }
0x57: {  	_ =	shalt  }
0x58: {  	_ =	shalt  }
0x59: {  	_ =	shalt  }
0x5a: {  	_ =	shalt  }
0x5b: {  	_ =	shalt  }
0x5c: {  	_ =	shalt  }
0x5d: {  	_ =	shalt  }
0x5e: {  	_ =	shalt  }
0x5f: {  	_ =	shalt  }
0x60: {  	_ =	shalt  }
0x61: {  	_ =	shalt  }
0x62: {  	_ =	shalt  }
0x63: {  	_ =	shalt  }
0x64: {  	_ =	shalt  }
0x65: {  	_ =	shalt  }
0x66: {  	_ =	shalt  }
0x67: {  	_ =	shalt  }
0x68: {  	_ =	shalt  }
0x69: {  	_ =	shalt  }
0x6a: {  	_ =	shalt  }
0x6b: {  	_ =	shalt  }
0x6c: {  	_ =	shalt  }
0x6d: {  	_ =	shalt  }
0x6e: {  	_ =	shalt  }
0x6f: {  	_ =	shalt  }
0x70: {  	_ =	shalt  }
0x71: {  	_ =	shalt  }
0x72: {  	_ =	shalt  }
0x73: {  	_ =	shalt  }
0x74: {  	_ =	shalt  }
0x75: {  	_ =	shalt  }
0x76: {  	_ =	shalt  }
0x77: {  	_ =	shalt  }
0x78: {  	_ =	shalt  }
0x79: {  	_ =	shalt  }
0x7a: {  	_ =	shalt  }
0x7b: {  	_ =	shalt  }
0x7c: {  	_ =	shalt  }
0x7d: {  	_ =	shalt  }
0x7e: {  	_ =	shalt  }
0x7f: {  	_ =	shalt  }
0x80: {  	_ =	shalt  }
0x81: {  	_ =	shalt  }
0x82: {  	_ =	shalt  }
0x83: {  	_ =	shalt  }
0x84: {  	_ =	shalt  }
0x85: {  	_ =	shalt  }
0x86: {  	_ =	shalt  }
0x87: {  	_ =	shalt  }
.Lfunc_end0:
.L_simem_size_0:
called_computation_lowered:
.L_overlay_start_0:
0x88: {  	s2 =	sld [smem:$0x3FD9]  }
0x89: {  	s3 =	sld [smem:$0x3FFE];
	_ =	sdelay $0x1  }
0x8a: {  	s1 =	srdreg.scid  }
0x8b: {  	s0 =	sand.u32 $0x1, s1  }
0x8c: {  	s17 =	sshll.u32 s0, $0xA;
	s2 =	sadd.s32 s3, s2  }
0x8d: {  	s2 =	sadd.s32 s2, s17  }
0x8e: {  	[smem:$0x3FC6] =	sst s2  }
0x8f: {  	_ = 	snop  }
0x90: {  	s2 =	sld [smem:$0x3FD0];
	(tm) =	ssettm $0x1  }
0x91: {  	s18 =	sld [smem:$0x3FFB];
	_ =	sdelay $0x3  }
0x92: {  	_ =	strace s18  }
0x93: {  	s3 =	sld [smem:$0x3FFC];
	_ =	sdelay $0x3  }
0x94: {  	_ =	strace s3  }
0x95: {  	s3 =	sld [smem:$0x3FFD];
	_ =	sdelay $0x3  }
0x96: {  	_ =	strace s3  }
0x97: {  	_ =	strace $0x8FFFFFFF  }
0x98: {  	s19 =	sld [smem:$0x3FDB];
	_ =	sdelay $0x1  }
0x99: {  	s4 =	simm.s32 $_scs_section_size  }
0x9a: {  	s5 =	simm.s32 $_size__tile_overlayer_lowered;
	s6 =	simm.s32 $_tile_overlayer_lowered  }
0x9b: {  	s22 =	simm.s32 $0x1BFF;
	s21 =	sshll.u32 s6, $0x1;
	s3 =	sadd.s32 s4, s19  }
0x9c: {  	s7 =	simm.s32 $0x0;
	s20 =	sshll.u32 s5, $0x1;
	s5 =	sadd.s32 s21, s3  }
0x9d: {  	[timem:s7], [sflag:s22] =	dma.local [hbm:s5], s20  }
0x9e: {  	_ =	swait.ge [sflag:s22], s20  }
0x9f: {  	s4 =	ssub.s32 $0x0, s20;
	[sflag:s22] =	ssyncset.done $0x0  }
0xa0: {  	[sflag:s22] =	ssyncadd.s32 s4;
	_ =	sdelay $0x1  }
0xa1: {  	s23 =	simm.s32 $0x1B8B  }
0xa2: {  	_ =	swait.ge [sflag:s23], $0x1  }
0xa3: {  	[sflag:s23] =	ssyncset.done $0x0  }
0xa4: {  	s25 =	simm.s32 $0x1B8E;
	s24 =	sld [smem:$0x3FFE];
	[sflag:s23] =	ssyncadd.s32 $0xFFFFFFFF  }
0xa5: {  	s26 =	simm.s32 $execute0_lowered;
	[smem:$0x3FD2] =	sst s25  }
0xa6: {  	s5 =	sshll.u32 s26, $0x1;
	_ =	strace $0x80000046;
	[dreg:$0x1] =	wrdreg $0xFFFFFFFF  }
0xa7: {  	s28 =	simm.s32 $_size_execute0_lowered;
	s3 =	sadd.s32 s3, s5;
	[dreg:$0x0] =	wrdreg $0x0  }
0xa8: {  	s5 =	sshll.u32 s28, $0x1;
	[dreg:$0x2] =	wrdreg s3  }
0xa9: {  	[dreg:$0x3] =	wrdreg s5  }
0xaa: {  	[dreg:$0x4] =	wrdreg $0xC0  }
0xab: {  	_ =	task [dreg:s7], $0x5FFFF  }
0xac: {  	[dreg:$0x1] =	wrdreg $0xFFFFFFFF  }
0xad: {  	[dreg:$0x0] =	wrdreg $0x60  }
0xae: {  	[dreg:$0x2] =	wrdreg s24  }
0xaf: {  	[dreg:$0x3] =	wrdreg s2  }
0xb0: {  	[dreg:$0x4] =	wrdreg $0x9  }
0xb1: {  	_ =	task.clear_ibuf [dreg:s7], $0x5FFFF;
	_ =	strace $0x90000046  }
0xb2: {  	s29 =	simm.s32 $0x9;
	_ =	strace $0x80000048  }
0xb3: {  	_ =	swait.ge [sflag:s29], $0x1  }
0xb4: {  	[sflag:s29] =	ssyncadd.s32 $0xFFFFFFFF  }
0xb5: {  	_ =	strace $0x90000048  }
0xb6: {  	_ =	sfence  }
0xb7: {  	s30 =	sld [smem:$0x0];
	_ =	sdelay $0x2  }
0xb8: {  	s31 =	sshll.u32 s1, $0xD;
	s1 =	sshrl.u32 s1, $0x2  }
0xb9: {  	s3 =	sand.u32 $0x4000, s31;
	s1 =	sadd.s32 s1, s30  }
0xba: {  	s0 =	sor.u32 s3, s0;
	s1 =	sshll.u32 s1, $0x11  }
0xbb: {  	s0 =	sor.u32 s1, s0  }
0xbc: {  	s0 =	sadd.s32 $0x8F2B, s0  }
0xbd: {  	[sflag:s0] =	ssyncadd.remote.s32 $0x1  }
0xbe: {  	_ =	sfence.sel $0xFFFF  }
0xbf: {  	[dreg:$0x0] =	wrdreg $0xFFFFFFFF;
	(pc) =	sbr.abs _section_cstart, $3  }
0xc0: {  	[dreg:$0x1] =	wrdreg $0xFFFFFFFF  }
0xc1: {  	_ =	task.clear_ibuf [dreg:s7], $0x2FFFF;
	_ =	strace $0x9FFFFFFF  }
0xc2: {  	(tm) =	ssettm $0x7FFFFFFF  }
0xc3: {  	_ =	shalt  }
tec
execute0_lowered:
.L_overlay_start_1:
0x0: {  	(tag) =	ssettag $0x1  }
0x1: {  	v0 =	vlaneseq.u32  }
0x2: {  	s5 =	rddreg [dreg:$0x0];
	v0 =	vmul.u32 $0x88, v0  }
0x3: {  	s1 =	rddreg [dreg:$0x1];
	v1 =	vimm.s32 $0x0;
	vm0 =	vcmask $0x300  }
0x4: {  	s0 =	rddreg [dreg:$0x2];
	v1 =	vsel vm0, $0x3, v1;
	v2 =	vadd.s32 $0x880, v0  }
0x5: {  	s2 =	simm.s32 $0x0;
	s4 =	srdreg.scid;
	s3 =	stileid.u32;
	v3 =	vadd.s32 $0x1100, v0;
	v4 =	vadd.s32 $0x1980, v0;
	v5 =	vor.u32 $0x1, v0  }
0x6: {  	s12 =	simm.s32 $0x80;
	s13 =	simm.s32 $0x100;
	s14 =	simm.s32 $0x2100;
	v6 =	vadd.s32 $0x881, v0;
	v7 =	vadd.s32 $0x1101, v0;
	v8 =	vadd.s32 $0x1981, v0  }
0x7: {  	s15 =	simm.s32 $0x1;
	s16 =	simm.s32 $0x4100;
	s17 =	simm.s32 $0x2;
	v9 =	vor.u32 $0x2, v0;
	v10 =	vadd.s32 $0x882, v0;
	v11 =	vadd.s32 $0x1102, v0  }
0x8: {  	s18 =	simm.s32 $0x4;
	s19 =	simm.s32 $0x6300;
	s20 =	simm.s32 $0x3;
	v12 =	vadd.s32 $0x1982, v0;
	v13 =	vor.u32 $0x3, v0;
	v14 =	vadd.s32 $0x883, v0  }
0x9: {  	s21 =	simm.s32 $0x0;
	[smem:$0x7FF] =	sst s2;
	s6 =	sand.u32 $0x1, s4;
	v15 =	vadd.s32 $0x1103, v0;
	v16 =	vadd.s32 $0x1983, v0;
	v17 =	vor.u32 $0x4, v0  }
0xa: {  	s4 =	sadd.s32 $0x19400, s5;
	s8 =	sshll.u32 s3, $0x1;
	s5 =	sadd.s32 $0x400, s5;
	v18 =	vadd.s32 $0x884, v0;
	v19 =	vadd.s32 $0x1104, v0;
	v20 =	vadd.s32 $0x1984, v0  }
0xb: {  	_ =	strace $0x80000047;
	s7 =	ssub.s32 $0x2, s6;
	s10 =	sor.u32 s6, s8;
	v21 =	vor.u32 $0x5, v0;
	v22 =	vadd.s32 $0x885, v0;
	v23 =	vadd.s32 $0x1105, v0  }
0xc: {  	s9 =	sshrl.u32 s7, $0x1;
	s6 =	sshll.u32 s10, $0x7;
	s31 =	sshll.u32 s10, $0x4;
	v24 =	vadd.s32 $0x1985, v0;
	v25 =	vor.u32 $0x6, v0;
	v26 =	vadd.s32 $0x886, v0  }
0xd: {  	v27 =	vadd.s32 $0x1106, v0;
	v28 =	vadd.s32 $0x1986, v0;
	v29 =	vor.u32 $0x7, v0;
	s11 =	ssub.s32 s7, s9;
	s7 =	sadd.s32 s5, s31;
	s8 =	sor.u32 $0x2000, s6  }
0xe: {  	v30 =	vadd.s32 $0x887, v0;
	v31 =	vadd.s32 $0x1107, v0;
	v32 =	vadd.s32 $0x1987, v0;
	s9 =	sshll.u32 s10, $0xA;
	s10 =	smax.u32 s11, $0x1;
	s11 =	simm.s32 $0x5  }
.LBB2_1:
0xf: {  	[tilespmem:s2], [sflag:$0x5] =	stream.linear.gather [hbm4b:s7+s2], $0x80, $0x38;
	[tilespmem:$0x8500] =	vst v63  }
0x10: {  	_ =	swait.ge [sflag:s11], $0x80  }
0x11: {  	[sflag:s11] =	ssyncset.done $0x0  }
0x12: {  	[sflag:s11] =	ssyncadd.s32 $0xFFFFFF80  }
0x13: {  	v33 =	vld [tilespmem:$0x0]  }
0x14: {  	v34 =	vld [tilespmem:$0x10]  }
0x15: {  	v35 =	vld [tilespmem:$0x20]  }
0x16: {  	v36 =	vld [tilespmem:$0x30]  }
0x17: {  	v37 =	vld [tilespmem:$0x40]  }
0x18: {  	v38 =	vld [tilespmem:$0x50];
	v33 =	vshll.u32 v33, $0x1  }
0x19: {  	v56 =	vld [tilespmem:$0x60];
	v55 =	vshll.u32 v34, $0x1;
	[tilespmem:$0x0] =	vst v33  }
0x1a: {  	v58 =	vld [tilespmem:$0x70];
	v57 =	vshll.u32 v35, $0x1;
	[tilespmem:$0x10] =	vst v55  }
0x1b: {  	v59 =	vshll.u32 v36, $0x1;
	[tilespmem:$0x20] =	vst v57  }
0x1c: {  	v60 =	vshll.u32 v37, $0x1;
	[tilespmem:$0x30] =	vst v59  }
0x1d: {  	v61 =	vshll.u32 v38, $0x1;
	[tilespmem:$0x40] =	vst v60  }
0x1e: {  	v62 =	vshll.u32 v56, $0x1;
	[tilespmem:$0x50] =	vst v61  }
0x1f: {  	v63 =	vshll.u32 v58, $0x1;
	[tilespmem:$0x60] =	vst v62  }
0x20: {  	s22 =	simm.s32 $0x0;
	[tilespmem:$0x70] =	vst v63  }
0x21: {  	[tilespmem:s13], [sflag:$0x1] =	stream.indirect.gather [hbm4b:s4+s12], $0x40, s2, s12, $0xb8;
	[tilespmem:$0x8500] =	vst v63  }
.LBB2_2:
0x22: {  	s23 =	sshllo.u32 s22, $0x1  }
0x23: {  	s24 =	sshll.u32 s23, $0xC  }
0x24: {  	s24 =	sor.u32 s6, s24  }
0x25: {  	s24 =	sshrl.u32 s24, $0x3  }
0x26: {  	s24 =	sadd.s32 s5, s24  }
0x27: {  	[tilespmem:s12], [sflag:$0x5] =	stream.linear.gather [hbm4b:s24+s2], $0x80, $0x38;
	[tilespmem:$0x8500] =	vst v63  }
0x28: {  	_ =	swait.ge [sflag:s11], $0x80  }
0x29: {  	[sflag:s11] =	ssyncset.done $0x0  }
0x2a: {  	[sflag:s11] =	ssyncadd.s32 $0xFFFFFF80  }
0x2b: {  	v33 =	vld [tilespmem:$0x80]  }
0x2c: {  	v34 =	vld [tilespmem:$0x90]  }
0x2d: {  	v35 =	vld [tilespmem:$0xA0]  }
0x2e: {  	v36 =	vld [tilespmem:$0xB0]  }
0x2f: {  	v37 =	vld [tilespmem:$0xC0]  }
0x30: {  	v38 =	vld [tilespmem:$0xD0];
	v33 =	vshll.u32 v33, $0x1  }
0x31: {  	v63 =	vld [tilespmem:$0xE0];
	v62 =	vshll.u32 v34, $0x1;
	[tilespmem:$0x80] =	vst v33  }
0x32: {  	v40 =	vld [tilespmem:$0xF0];
	v39 =	vshll.u32 v35, $0x1;
	[tilespmem:$0x90] =	vst v62  }
0x33: {  	v41 =	vshll.u32 v36, $0x1;
	[tilespmem:$0xA0] =	vst v39  }
0x34: {  	v42 =	vshll.u32 v37, $0x1;
	[tilespmem:$0xB0] =	vst v41  }
0x35: {  	v43 =	vshll.u32 v38, $0x1;
	[tilespmem:$0xC0] =	vst v42  }
0x36: {  	v44 =	vshll.u32 v63, $0x1;
	[tilespmem:$0xD0] =	vst v43  }
0x37: {  	s28 =	simm.s32 $0x0;
	s29 =	simm.s32 $0x1;
	s25 =	simm.s32 $0x2;
	v45 =	vshll.u32 v40, $0x1;
	[tilespmem:$0xE0] =	vst v44  }
0x38: {  	s30 =	simm.s32 $0x3;
	s31 =	simm.s32 $0x4;
	s26 =	simm.s32 $0x7;
	v46 =	vmov s28;
	[tilespmem:$0xF0] =	vst v45  }
0x39: {  	v47 =	vmov s29;
	v48 =	vmov s25;
	[tilespmem:s14], [sflag:$0x2] =	stream.indirect.gather [hbm4b:s4+s12], $0x40, s12, s12, $0xb8;
	[tilespmem:$0x8500] =	vst v63  }
0x3a: {  	v49 =	vmov s30;
	v50 =	vmov s31;
	v51 =	vmov s26;
	s29 =	simm.s32 $0x6;
	_ =	swait.ge [sflag:s15], $0x2000  }
0x3b: {  	p0 =	seq.s32 s22, $0x0;
	v38 =	vshrl.u32 v51, $0x3;
	v40 =	vmov s29;
	v34 =	vshrl.u32 v47, $0x3;
	[sflag:s15] =	ssyncset.done $0x0  }
0x3c: {  	s28 =	simm.s32 $0x5;
	s25 =	simm.s32 @!p0 $0x3;
	v35 =	vshrl.u32 v48, $0x3;
	v36 =	vshrl.u32 v49, $0x3;
	v37 =	vshrl.u32 v50, $0x3;
	[sflag:s15] =	ssyncadd.s32 $0xFFFFE000  }
0x3d: {  	v33 =	vshrl.u32 v46, $0x3;
	v39 =	vmov s28;
	v38 =	vshll.u32 v38, v1;
	_ =	swait.ge @!p0 [sflag:s25], $0x2000  }
0x3e: {  	v34 =	vshll.u32 v34, v1;
	v33 =	vshll.u32 v33, v1;
	v38 =	vbroadcast v38, $0x0;
	[sflag:s25] =	ssyncset.done @!p0 $0x0  }
0x3f: {  	s24 =	simm.s32 $0x200;
	v52 =	vshll.u32 v35, v1;
	v53 =	vshll.u32 v36, v1;
	v33 =	vbroadcast v33, $0x0;
	[sflag:s25] =	ssyncadd.s32 @!p0 $0xFFFFE000  }
0x40: {  	v54 =	vshll.u32 v37, v1;
	v45 =	vbroadcast v34, $0x0;
	v42 =	vadd.s32 v29, v38;
	v41 =	vld [tilespmem:s24+$0xC0]  }
0x41: {  	v40 =	vshrl.u32 v40, $0x3;
	v52 =	vbroadcast v52, $0x0;
	v44 =	vadd.s32 v0, v33;
	v43 =	vld [tilespmem:s24+$0xFFFFFF00]  }
0x42: {  	v35 =	vbroadcast v53, $0x0;
	v55 =	vshrl.u32 v39, $0x3;
	v47 =	vadd.s32 v5, v45;
	v46 =	vld [tilespmem:s24+$0xFFFFFF40]  }
0x43: {  	v34 =	vbroadcast v54, $0x0;
	v36 =	vshll.u32 v55, v1;
	v49 =	vadd.s32 v9, v52;
	v48 =	vld [tilespmem:s24+$0xFFFFFF80]  }
0x44: {  	v56 =	vshll.u32 v40, v1;
	v50 =	vadd.s32 v13, v35;
	v37 =	vbroadcast v36, $0x0;
	v39 =	vld [tilespmem:s24+$0xFFFFFFC0]  }
0x45: {  	v53 =	vadd.s32 v17, v34;
	v36 =	vbroadcast v56, $0x0;
	v51 =	vld [tilespmem:s24+$0x0];
	[tilespmem:v42+s16+$0x0] =	vst.idx.msk $0xffff, v41  }
0x46: {  	v60 =	vadd.s32 v21, v37;
	v59 =	vld [tilespmem:s24+$0x40];
	[tilespmem:v44+s16+$0x0] =	vst.idx.msk $0xffff, v43  }
0x47: {  	v62 =	vadd.s32 v25, v36;
	v61 =	vld [tilespmem:s24+$0x80];
	[tilespmem:v47+s16+$0x0] =	vst.idx.msk $0xffff, v46  }
0x48: {  	v58 =	vadd.s32 v30, v38;
	[tilespmem:v49+s16+$0x0] =	vst.idx.msk $0xffff, v48;
	v57 =	vld [tilespmem:s24+$0xD0]  }
0x49: {  	v63 =	vadd.s32 v6, v45;
	[tilespmem:v50+s16+$0x0] =	vst.idx.msk $0xffff, v39;
	v47 =	vld [tilespmem:s24+$0xFFFFFF50]  }
0x4a: {  	v55 =	vadd.s32 v10, v52;
	[tilespmem:v53+s16+$0x0] =	vst.idx.msk $0xffff, v51;
	v54 =	vld [tilespmem:s24+$0xFFFFFF90]  }
0x4b: {  	v56 =	vadd.s32 v14, v35;
	[tilespmem:v60+s16+$0x0] =	vst.idx.msk $0xffff, v59;
	v50 =	vld [tilespmem:s24+$0xFFFFFFD0]  }
0x4c: {  	[tilespmem:v62+s16+$0x0] =	vst.idx.msk $0xffff, v61;
	v46 =	vadd.s32 v22, v37;
	v44 =	vld [tilespmem:s24+$0x50]  }
0x4d: {  	v59 =	vadd.s32 v18, v34;
	[tilespmem:v58+s16+$0x0] =	vst.idx.msk $0xffff, v57;
	v58 =	vld [tilespmem:s24+$0x10]  }
0x4e: {  	v57 =	vadd.s32 v31, v38;
	[tilespmem:v63+s16+$0x0] =	vst.idx.msk $0xffff, v47;
	v40 =	vld [tilespmem:s24+$0xE0]  }
0x4f: {  	v60 =	vadd.s32 v26, v36;
	[tilespmem:v55+s16+$0x0] =	vst.idx.msk $0xffff, v54;
	v63 =	vld [tilespmem:s24+$0x90]  }
0x50: {  	v62 =	vadd.s32 v2, v33;
	v61 =	vld [tilespmem:s24+$0xFFFFFF10];
	[tilespmem:v56+s16+$0x0] =	vst.idx.msk $0xffff, v50  }
0x51: {  	v51 =	vadd.s32 v7, v45;
	[tilespmem:v46+s16+$0x0] =	vst.idx.msk $0xffff, v44;
	v50 =	vld [tilespmem:s24+$0xFFFFFF60]  }
0x52: {  	v56 =	vadd.s32 v11, v52;
	v55 =	vld [tilespmem:s24+$0xFFFFFFA0];
	[tilespmem:v59+s16+$0x0] =	vst.idx.msk $0xffff, v58  }
0x53: {  	v58 =	vadd.s32 v15, v35;
	[tilespmem:v57+s16+$0x0] =	vst.idx.msk $0xffff, v40;
	v57 =	vld [tilespmem:s24+$0xFFFFFFE0]  }
0x54: {  	[tilespmem:v60+s16+$0x0] =	vst.idx.msk $0xffff, v63;
	v60 =	vadd.s32 v19, v34;
	v59 =	vld [tilespmem:s24+$0x20]  }
0x55: {  	s31 =	simm.s32 $0x9;
	v38 =	vadd.s32 v32, v38;
	[tilespmem:v62+s16+$0x0] =	vst.idx.msk $0xffff, v61;
	v54 =	vld [tilespmem:s24+$0xF0]  }
0x56: {  	s30 =	simm.s32 $0x8;
	v41 =	vadd.s32 v23, v37;
	v53 =	vmov s31;
	[tilespmem:v51+s16+$0x0] =	vst.idx.msk $0xffff, v50;
	v40 =	vld [tilespmem:s24+$0x60]  }
0x57: {  	s29 =	simm.s32 $0xC;
	s28 =	simm.s32 $0xB;
	v43 =	vadd.s32 v27, v36;
	v48 =	vadd.s32 v3, v33;
	v63 =	vmov s30;
	v42 =	vld [tilespmem:s24+$0xA0];
	[tilespmem:v56+s16+$0x0] =	vst.idx.msk $0xffff, v55  }
0x58: {  	s31 =	simm.s32 $0xE;
	v44 =	vmov s28;
	v47 =	vmov s29;
	v46 =	vld [tilespmem:s24+$0xFFFFFF20];
	v39 =	vshrl.u32 v63, $0x3;
	[tilespmem:v58+s16+$0x0] =	vst.idx.msk $0xffff, v57  }
0x59: {  	s26 =	simm.s32 $0xA;
	s30 =	simm.s32 $0xD;
	v51 =	vadd.s32 v8, v45;
	v49 =	vld [tilespmem:s24+$0xFFFFFF70];
	v45 =	vshll.u32 v39, v1;
	v39 =	vmov s31;
	[tilespmem:v60+s16+$0x0] =	vst.idx.msk $0xffff, v59  }
0x5a: {  	s25 =	simm.s32 $0x10;
	v52 =	vadd.s32 v12, v52;
	v50 =	vld [tilespmem:s24+$0xFFFFFFB0];
	[tilespmem:v38+s16+$0x0] =	vst.idx.msk $0xffff, v54;
	v54 =	vmov s26;
	v38 =	vmov s30;
	s26 =	simm.s32 $0xF  }
.LBB2_3:
0x5b: {  	p1 =	slt.u32 s25, $0x78;
	v53 =	vshrl.u32 v53, $0x3;
	v55 =	vmov s26;
	v56 =	vld [tilespmem:s24+$0xFFFFFFF0];
	v35 =	vadd.s32 v16, v35;
	[tilespmem:v41+s16+$0x0] =	vst.idx.msk $0xffff, v40  }
0x5c: {  	v40 =	vshrl.u32 v54, $0x3;
	v34 =	vadd.s32 v20, v34;
	v41 =	vshrl.u32 v55, $0x3;
	v54 =	vld [tilespmem:s24+$0x30];
	[tilespmem:v43+s16+$0x0] =	vst.idx.msk $0xffff, v42  }
0x5d: {  	v37 =	vadd.s32 v24, v37;
	v42 =	vshrl.u32 v44, $0x3;
	v41 =	vshll.u32 v41, v1;
	[tilespmem:v48+s16+$0x0] =	vst.idx.msk $0xffff, v46;
	v43 =	vld [tilespmem:s24+$0x70]  }
0x5e: {  	v36 =	vadd.s32 v28, v36;
	v44 =	vshrl.u32 v47, $0x3;
	v41 =	vbroadcast v41, $0x0;
	[tilespmem:v51+s16+$0x0] =	vst.idx.msk $0xffff, v49;
	v46 =	vld [tilespmem:s24+$0xB0]  }
0x5f: {  	v47 =	vshll.u32 v53, v1;
	v49 =	vadd.s32 v4, v33;
	v33 =	vbroadcast v45, $0x0;
	v48 =	vld [tilespmem:s24+$0xFFFFFF30];
	[tilespmem:v52+s16+$0x0] =	vst.idx.msk $0xffff, v50;
	s24 =	sadd.s32 $0x200, s24  }
0x60: {  	v40 =	vshll.u32 v40, v1;
	v45 =	vbroadcast v47, $0x0;
	v47 =	vld [tilespmem:s24+$0xC0];
	v50 =	vadd.s32 v29, v41;
	[tilespmem:v35+s16+$0x0] =	vst.idx.msk $0xffff, v56  }
0x61: {  	v55 =	vbroadcast v40, $0x0;
	v52 =	vadd.s32 v0, v33;
	v35 =	vshll.u32 v42, v1;
	v51 =	vld [tilespmem:s24+$0xFFFFFF00];
	[tilespmem:v34+s16+$0x0] =	vst.idx.msk $0xffff, v54  }
0x62: {  	v42 =	vadd.s32 v5, v45;
	v35 =	vbroadcast v35, $0x0;
	v34 =	vshll.u32 v44, v1;
	v40 =	vld [tilespmem:s24+$0xFFFFFF40];
	[tilespmem:v37+s16+$0x0] =	vst.idx.msk $0xffff, v43  }
0x63: {  	v44 =	vadd.s32 v9, v55;
	v34 =	vbroadcast v34, $0x0;
	v37 =	vshrl.u32 v38, $0x3;
	v43 =	vld [tilespmem:s24+$0xFFFFFF80];
	[tilespmem:v36+s16+$0x0] =	vst.idx.msk $0xffff, v46  }
0x64: {  	v39 =	vshrl.u32 v39, $0x3;
	v46 =	vadd.s32 v13, v35;
	v36 =	vshll.u32 v37, v1;
	v38 =	vld [tilespmem:s24+$0xFFFFFFC0];
	[tilespmem:v49+s16+$0x0] =	vst.idx.msk $0xffff, v48  }
0x65: {  	v49 =	vadd.s32 v17, v34;
	v37 =	vbroadcast v36, $0x0;
	v36 =	vshll.u32 v39, v1;
	v48 =	vld [tilespmem:s24+$0x0];
	[tilespmem:v50+s16+$0x0] =	vst.idx.msk $0xffff, v47  }
0x66: {  	v36 =	vbroadcast v36, $0x0;
	v47 =	vadd.s32 v30, v41;
	[tilespmem:v52+s16+$0x0] =	vst.idx.msk $0xffff, v51;
	v39 =	vld [tilespmem:s24+$0xD0]  }
0x67: {  	[tilespmem:v42+s16+$0x0] =	vst.idx.msk $0xffff, v40;
	v40 =	vld [tilespmem:s24+$0x40];
	v42 =	vadd.s32 v21, v37  }
0x68: {  	[tilespmem:v44+s16+$0x0] =	vst.idx.msk $0xffff, v43;
	v43 =	vld [tilespmem:s24+$0x80];
	v44 =	vadd.s32 v25, v36  }
0x69: {  	v51 =	vadd.s32 v6, v45;
	v50 =	vld [tilespmem:s24+$0xFFFFFF50];
	[tilespmem:v46+s16+$0x0] =	vst.idx.msk $0xffff, v38  }
0x6a: {  	v46 =	vadd.s32 v10, v55;
	v38 =	vld [tilespmem:s24+$0xFFFFFF90];
	[tilespmem:v49+s16+$0x0] =	vst.idx.msk $0xffff, v48  }
0x6b: {  	v49 =	vadd.s32 v14, v35;
	v48 =	vld [tilespmem:s24+$0xFFFFFFD0];
	[tilespmem:v47+s16+$0x0] =	vst.idx.msk $0xffff, v39  }
0x6c: {  	[tilespmem:v42+s16+$0x0] =	vst.idx.msk $0xffff, v40;
	v39 =	vld [tilespmem:s24+$0xE0];
	v40 =	vadd.s32 v31, v41  }
0x6d: {  	v47 =	vadd.s32 v18, v34;
	v42 =	vld [tilespmem:s24+$0x10];
	[tilespmem:v44+s16+$0x0] =	vst.idx.msk $0xffff, v43  }
0x6e: {  	v44 =	vadd.s32 v22, v37;
	[tilespmem:v51+s16+$0x0] =	vst.idx.msk $0xffff, v50;
	v43 =	vld [tilespmem:s24+$0x50]  }
0x6f: {  	[tilespmem:v46+s16+$0x0] =	vst.idx.msk $0xffff, v38;
	v38 =	vld [tilespmem:s24+$0x90];
	v46 =	vadd.s32 v26, v36  }
0x70: {  	v51 =	vadd.s32 v2, v33;
	v50 =	vld [tilespmem:s24+$0xFFFFFF10];
	[tilespmem:v49+s16+$0x0] =	vst.idx.msk $0xffff, v48  }
0x71: {  	v49 =	vadd.s32 v7, v45;
	v48 =	vld [tilespmem:s24+$0xFFFFFF60];
	[tilespmem:v40+s16+$0x0] =	vst.idx.msk $0xffff, v39  }
0x72: {  	[tilespmem:v47+s16+$0x0] =	vst.idx.msk $0xffff, v42;
	v39 =	vld [tilespmem:s24+$0xF0];
	v47 =	vadd.s32 v32, v41  }
0x73: {  	v56 =	vadd.s32 v11, v55;
	v52 =	vld [tilespmem:s24+$0xFFFFFFA0];
	[tilespmem:v44+s16+$0x0] =	vst.idx.msk $0xffff, v43  }
0x74: {  	v58 =	vadd.s32 v15, v35;
	v57 =	vld [tilespmem:s24+$0xFFFFFFE0];
	[tilespmem:v46+s16+$0x0] =	vst.idx.msk $0xffff, v38  }
0x75: {  	v60 =	vadd.s32 v19, v34;
	[tilespmem:v51+s16+$0x0] =	vst.idx.msk $0xffff, v50;
	v59 =	vld [tilespmem:s24+$0x20]  }
.Ltmp0:
0x76: {  	s26 =	sadd.s32 $0x1, s25;
	v41 =	vadd.s32 v23, v37;
	v38 =	vmov s25;
	[tilespmem:v49+s16+$0x0] =	vst.idx.msk $0xffff, v48;
	v40 =	vld [tilespmem:s24+$0x60];
	(pc) =	sbr.rel @p1 .LBB2_3-.Ltmp0, $4  }
0x77: {  	s28 =	sadd.s32 $0x3, s25;
	v53 =	vmov s26;
	s26 =	sadd.s32 $0x2, s25;
	v43 =	vadd.s32 v27, v36;
	v50 =	vshrl.u32 v38, $0x3;
	v42 =	vld [tilespmem:s24+$0xA0];
	[tilespmem:v47+s16+$0x0] =	vst.idx.msk $0xffff, v39  }
0x78: {  	v54 =	vmov s26;
	s26 =	sadd.s32 $0x4, s25;
	v44 =	vmov s28;
	s28 =	sadd.s32 $0x5, s25;
	v48 =	vadd.s32 v3, v33;
	v46 =	vld [tilespmem:s24+$0xFFFFFF20];
	[tilespmem:v56+s16+$0x0] =	vst.idx.msk $0xffff, v52  }
0x79: {  	v38 =	vmov s28;
	v51 =	vadd.s32 v8, v45;
	v47 =	vmov s26;
	s26 =	sadd.s32 $0x6, s25;
	v49 =	vld [tilespmem:s24+$0xFFFFFF70];
	[tilespmem:v58+s16+$0x0] =	vst.idx.msk $0xffff, v57  }
0x7a: {  	v45 =	vshll.u32 v50, v1;
	v39 =	vmov s26;
	s26 =	sadd.s32 $0x7, s25;
	s25 =	sadd.s32 $0x8, s25;
	v52 =	vadd.s32 v12, v55;
	v50 =	vld [tilespmem:s24+$0xFFFFFFB0];
	[tilespmem:v60+s16+$0x0] =	vst.idx.msk $0xffff, v59  }
0x7b: {  	_ =	sdelay $0x2  }
0x7c: {  	v53 =	vshrl.u32 v53, $0x3  }
0x7d: {  	v55 =	vmov s26;
	v56 =	vld [tilespmem:s24+$0xFFFFFFF0];
	v35 =	vadd.s32 v16, v35;
	[tilespmem:v41+s16+$0x0] =	vst.idx.msk $0xffff, v40;
	v57 =	vshrl.u32 v54, $0x3  }
0x7e: {  	v59 =	vld [tilespmem:s24+$0x30];
	v34 =	vadd.s32 v20, v34;
	v60 =	vshrl.u32 v44, $0x3;
	v58 =	vshrl.u32 v55, $0x3;
	[tilespmem:v43+s16+$0x0] =	vst.idx.msk $0xffff, v42  }
0x7f: {  	v37 =	vadd.s32 v24, v37;
	v62 =	vshrl.u32 v47, $0x3;
	v61 =	vld [tilespmem:s24+$0x70];
	v41 =	vshll.u32 v58, v1;
	[tilespmem:v48+s16+$0x0] =	vst.idx.msk $0xffff, v46  }
0x80: {  	v36 =	vadd.s32 v28, v36;
	v45 =	vbroadcast v45, $0x0;
	v63 =	vld [tilespmem:s24+$0xB0];
	v41 =	vbroadcast v41, $0x0;
	[tilespmem:v51+s16+$0x0] =	vst.idx.msk $0xffff, v49  }
0x81: {  	v33 =	vadd.s32 v4, v33;
	s31 =	sadd.s32 $0x200, s24;
	v38 =	vshrl.u32 v38, $0x3;
	v55 =	vshll.u32 v53, v1;
	v48 =	vld [tilespmem:s24+$0xFFFFFF30];
	[tilespmem:v52+s16+$0x0] =	vst.idx.msk $0xffff, v50  }
0x82: {  	v40 =	vshll.u32 v57, v1;
	v47 =	vbroadcast v55, $0x0;
	v49 =	vld [tilespmem:s31+$0xC0];
	v50 =	vadd.s32 v29, v41;
	[tilespmem:v35+s16+$0x0] =	vst.idx.msk $0xffff, v56  }
0x83: {  	v42 =	vshll.u32 v60, v1;
	v40 =	vbroadcast v40, $0x0;
	v35 =	vld [tilespmem:s31+$0xFFFFFF00];
	v56 =	vadd.s32 v0, v45;
	[tilespmem:v34+s16+$0x0] =	vst.idx.msk $0xffff, v59  }
0x84: {  	v57 =	vld [tilespmem:s31+$0xFFFFFF40];
	v44 =	vshll.u32 v62, v1;
	v42 =	vbroadcast v42, $0x0;
	v58 =	vadd.s32 v5, v47;
	[tilespmem:v37+s16+$0x0] =	vst.idx.msk $0xffff, v61  }
0x85: {  	v38 =	vshll.u32 v38, v1;
	v44 =	vbroadcast v44, $0x0;
	v60 =	vadd.s32 v9, v40;
	v59 =	vld [tilespmem:s31+$0xFFFFFF80];
	[tilespmem:v36+s16+$0x0] =	vst.idx.msk $0xffff, v63  }
0x86: {  	v38 =	vbroadcast v38, $0x0;
	v62 =	vadd.s32 v13, v42;
	v61 =	vld [tilespmem:s31+$0xFFFFFFC0];
	[tilespmem:v33+s16+$0x0] =	vst.idx.msk $0xffff, v48  }
0x87: {  	v39 =	vshrl.u32 v39, $0x3;
	v63 =	vadd.s32 v17, v44;
	v33 =	vld [tilespmem:s31+$0x0];
	[tilespmem:v50+s16+$0x0] =	vst.idx.msk $0xffff, v49  }
0x88: {  	v39 =	vshll.u32 v39, v1;
	v34 =	vld [tilespmem:s31+$0x40];
	[tilespmem:v56+s16+$0x0] =	vst.idx.msk $0xffff, v35;
	v56 =	vadd.s32 v21, v38  }
0x89: {  	[tilespmem:v58+s16+$0x0] =	vst.idx.msk $0xffff, v57;
	v35 =	vbroadcast v39, $0x0;
	v49 =	vadd.s32 v30, v41;
	v39 =	vld [tilespmem:s31+$0xD0]  }
0x8a: {  	[tilespmem:v60+s16+$0x0] =	vst.idx.msk $0xffff, v59;
	v59 =	vld [tilespmem:s31+$0xFFFFFF50];
	v60 =	vadd.s32 v6, v47  }
0x8b: {  	v57 =	vld [tilespmem:s31+$0x80];
	[tilespmem:v62+s16+$0x0] =	vst.idx.msk $0xffff, v61;
	v58 =	vadd.s32 v25, v35  }
0x8c: {  	v61 =	vld [tilespmem:s31+$0xFFFFFF90];
	v62 =	vadd.s32 v10, v40;
	[tilespmem:v63+s16+$0x0] =	vst.idx.msk $0xffff, v33  }
0x8d: {  	v33 =	vld [tilespmem:s31+$0xFFFFFFD0];
	v63 =	vadd.s32 v14, v42;
	[tilespmem:v56+s16+$0x0] =	vst.idx.msk $0xffff, v34  }
0x8e: {  	v56 =	vadd.s32 v18, v44;
	[tilespmem:v49+s16+$0x0] =	vst.idx.msk $0xffff, v39;
	v49 =	vld [tilespmem:s31+$0x10]  }
0x8f: {  	[tilespmem:v60+s16+$0x0] =	vst.idx.msk $0xffff, v59;
	v39 =	vadd.s32 v31, v41;
	v34 =	vld [tilespmem:s31+$0xE0]  }
0x90: {  	[tilespmem:v58+s16+$0x0] =	vst.idx.msk $0xffff, v57;
	v57 =	vld [tilespmem:s31+$0x50];
	v58 =	vadd.s32 v22, v38  }
0x91: {  	[tilespmem:v62+s16+$0x0] =	vst.idx.msk $0xffff, v61;
	v61 =	vld [tilespmem:s31+$0xFFFFFF10];
	v62 =	vadd.s32 v2, v45  }
0x92: {  	v60 =	vadd.s32 v26, v35;
	v59 =	vld [tilespmem:s31+$0x90];
	[tilespmem:v63+s16+$0x0] =	vst.idx.msk $0xffff, v33  }
0x93: {  	v55 =	vadd.s32 v11, v40;
	v54 =	vadd.s32 v32, v41;
	v41 =	vld [tilespmem:s31+$0xFFFFFFA0];
	[tilespmem:v56+s16+$0x0] =	vst.idx.msk $0xffff, v49  }
0x94: {  	v53 =	vadd.s32 v7, v47;
	v63 =	vld [tilespmem:s31+$0xFFFFFF60];
	[tilespmem:v39+s16+$0x0] =	vst.idx.msk $0xffff, v34  }
0x95: {  	v56 =	vld [tilespmem:s31+$0xFFFFFFE0];
	[tilespmem:v58+s16+$0x0] =	vst.idx.msk $0xffff, v57;
	v57 =	vadd.s32 v15, v42  }
0x96: {  	[tilespmem:v62+s16+$0x0] =	vst.idx.msk $0xffff, v61;
	v34 =	vld [tilespmem:s31+$0xF0]  }
0x97: {  	v58 =	vld [tilespmem:s31+$0x20];
	[tilespmem:v60+s16+$0x0] =	vst.idx.msk $0xffff, v59;
	v59 =	vadd.s32 v19, v44  }
0x98: {  	v61 =	vadd.s32 v23, v38;
	[tilespmem:v55+s16+$0x0] =	vst.idx.msk $0xffff, v41;
	v60 =	vld [tilespmem:s31+$0x60]  }
0x99: {  	[tilespmem:v53+s16+$0x0] =	vst.idx.msk $0xffff, v63;
	v63 =	vadd.s32 v27, v35;
	v62 =	vld [tilespmem:s31+$0xA0]  }
0x9a: {  	v47 =	vadd.s32 v8, v47;
	v55 =	vld [tilespmem:s31+$0xFFFFFF70];
	[tilespmem:v57+s16+$0x0] =	vst.idx.msk $0xffff, v56  }
0x9b: {  	v53 =	vld [tilespmem:s31+$0xFFFFFF20];
	[tilespmem:v54+s16+$0x0] =	vst.idx.msk $0xffff, v34;
	v54 =	vadd.s32 v3, v45  }
0x9c: {  	v40 =	vadd.s32 v12, v40;
	v56 =	vld [tilespmem:s31+$0xFFFFFFB0];
	[tilespmem:v59+s16+$0x0] =	vst.idx.msk $0xffff, v58  }
0x9d: {  	v42 =	vadd.s32 v16, v42;
	v57 =	vld [tilespmem:s31+$0xFFFFFFF0];
	[tilespmem:v61+s16+$0x0] =	vst.idx.msk $0xffff, v60  }
0x9e: {  	v59 =	vadd.s32 v20, v44;
	v58 =	vld [tilespmem:s31+$0x30];
	[tilespmem:v63+s16+$0x0] =	vst.idx.msk $0xffff, v62  }
0x9f: {  	v38 =	vadd.s32 v24, v38;
	v60 =	vld [tilespmem:s31+$0x70];
	[tilespmem:v47+s16+$0x0] =	vst.idx.msk $0xffff, v55  }
0xa0: {  	v35 =	vadd.s32 v28, v35;
	v61 =	vld [tilespmem:s31+$0xB0];
	[tilespmem:v54+s16+$0x0] =	vst.idx.msk $0xffff, v53  }
0xa1: {  	v63 =	vadd.s32 v4, v45;
	[tilespmem:v40+s16+$0x0] =	vst.idx.msk $0xffff, v56;
	v62 =	vld [tilespmem:s31+$0xFFFFFF30]  }
0xa2: {  	[tilespmem:v42+s16+$0x0] =	vst.idx.msk $0xffff, v57  }
0xa3: {  	s25 =	sshll.u32 s22, $0x13;
	[tilespmem:v59+s16+$0x0] =	vst.idx.msk $0xffff, v58  }
0xa4: {  	s24 =	sor.u32 s9, s25;
	[tilespmem:v38+s16+$0x0] =	vst.idx.msk $0xffff, v60  }
0xa5: {  	s24 =	sshrl.u32 s24, $0x3;
	[tilespmem:v35+s16+$0x0] =	vst.idx.msk $0xffff, v61  }
0xa6: {  	s26 =	simm.s32 $0x4100;
	s25 =	sadd.s32 s1, s24;
	[tilespmem:v63+s16+$0x0] =	vst.idx.msk $0xffff, v62  }
0xa7: {  	[hbm4b:s25+s2] =	stream.linear.scatter [tilespmem:s26], [sflag:$0x3], $0x80, $0x38;
	[tilespmem:$0x8500] =	vst v63  }
0xa8: {  	s30 =	simm.s32 $0x4188;
	s31 =	sadd.s32 $0x10, s25  }
0xa9: {  	[hbm4b:s31+s2] =	stream.linear.scatter [tilespmem:s30], [sflag:$0x3], $0x80, $0x38;
	[tilespmem:$0x8500] =	vst v63  }
0xaa: {  	s28 =	simm.s32 $0x44B8;
	s30 =	simm.s32 $0x4210;
	s31 =	sadd.s32 $0x20, s25  }
0xab: {  	[hbm4b:s31+s2] =	stream.linear.scatter [tilespmem:s30], [sflag:$0x3], $0x80, $0x38;
	[tilespmem:$0x8500] =	vst v63  }
0xac: {  	s24 =	simm.s32 $0x440;
	s30 =	simm.s32 $0x4298;
	s31 =	sadd.s32 $0x30, s25  }
0xad: {  	[hbm4b:s31+s2] =	stream.linear.scatter [tilespmem:s30], [sflag:$0x3], $0x80, $0x38;
	[tilespmem:$0x8500] =	vst v63  }
0xae: {  	s29 =	sadd.s32 $0x70, s25;
	s30 =	simm.s32 $0x4320;
	s31 =	sadd.s32 $0x40, s25  }
0xaf: {  	[hbm4b:s31+s2] =	stream.linear.scatter [tilespmem:s30], [sflag:$0x3], $0x80, $0x38;
	[tilespmem:$0x8500] =	vst v63  }
0xb0: {  	s26 =	simm.s32 $0x2200;
	s30 =	simm.s32 $0x43A8;
	s31 =	sadd.s32 $0x50, s25  }
0xb1: {  	[hbm4b:s31+s2] =	stream.linear.scatter [tilespmem:s30], [sflag:$0x3], $0x80, $0x38;
	[tilespmem:$0x8500] =	vst v63  }
0xb2: {  	s30 =	simm.s32 $0x4430;
	s31 =	sadd.s32 $0x60, s25;
	s25 =	sadd.s32 $0x1000, s25  }
0xb3: {  	[hbm4b:s31+s2] =	stream.linear.scatter [tilespmem:s30], [sflag:$0x3], $0x80, $0x38;
	[tilespmem:$0x8500] =	vst v63  }
.LBB2_5:
0xb4: {  	[hbm4b:s29+s2] =	stream.linear.scatter [tilespmem:s28], [sflag:$0x3], $0x80, $0x38;
	[tilespmem:$0x8500] =	vst v63  }
0xb5: {  	s28 =	smov.u32 s24;
	s24 =	smov.u32 s26  }
0xb6: {  	s30 =	sadd.s32 $0x1100, s26;
	s24 =	sshra.s32 s24, $0x2;
	s29 =	sadd.s32 $0x4100, s28  }
0xb7: {  	[hbm4b:s25+s2] =	stream.linear.scatter [tilespmem:s29], [sflag:$0x3], $0x80, $0x38;
	[tilespmem:$0x8500] =	vst v63  }
0xb8: {  	p1 =	sne.s32 s26, $0x7700;
	s26 =	sadd.s32 $0x4188, s28;
	s29 =	sadd.s32 $0x10, s25  }
0xb9: {  	[hbm4b:s29+s2] =	stream.linear.scatter [tilespmem:s26], [sflag:$0x3], $0x80, $0x38;
	[tilespmem:$0x8500] =	vst v63  }
0xba: {  	s26 =	sadd.s32 $0x4210, s28;
	s29 =	sadd.s32 $0x20, s25  }
0xbb: {  	[hbm4b:s29+s2] =	stream.linear.scatter [tilespmem:s26], [sflag:$0x3], $0x80, $0x38;
	[tilespmem:$0x8500] =	vst v63  }
0xbc: {  	s26 =	sadd.s32 $0x4298, s28;
	s29 =	sadd.s32 $0x30, s25  }
0xbd: {  	[hbm4b:s29+s2] =	stream.linear.scatter [tilespmem:s26], [sflag:$0x3], $0x80, $0x38;
	[tilespmem:$0x8500] =	vst v63  }
0xbe: {  	s26 =	sadd.s32 $0x4320, s28;
	s29 =	sadd.s32 $0x40, s25  }
0xbf: {  	[hbm4b:s29+s2] =	stream.linear.scatter [tilespmem:s26], [sflag:$0x3], $0x80, $0x38;
	[tilespmem:$0x8500] =	vst v63  }
.Ltmp1:
0xc0: {  	s26 =	sadd.s32 $0x43A8, s28;
	s29 =	sadd.s32 $0x50, s25;
	(pc) =	sbr.rel @p1 .LBB2_5-.Ltmp1, $4  }
0xc1: {  	[hbm4b:s29+s2] =	stream.linear.scatter [tilespmem:s26], [sflag:$0x3], $0x80, $0x38;
	[tilespmem:$0x8500] =	vst v63  }
0xc2: {  	s26 =	sadd.s32 $0x4430, s28;
	s29 =	sadd.s32 $0x60, s25;
	s28 =	sadd.s32 $0x44B8, s28  }
0xc3: {  	[hbm4b:s29+s2] =	stream.linear.scatter [tilespmem:s26], [sflag:$0x3], $0x80, $0x38;
	[tilespmem:$0x8500] =	vst v63  }
0xc4: {  	s29 =	sadd.s32 $0x70, s25;
	s25 =	sadd.s32 $0x1000, s25;
	s26 =	smov.u32 s30  }
0xc5: {  	[hbm4b:s29+s2] =	stream.linear.scatter [tilespmem:s28], [sflag:$0x3], $0x80, $0x38;
	[tilespmem:$0x8500] =	vst v63  }
0xc6: {  	s26 =	sadd.s32 $0x4100, s24  }
0xc7: {  	[hbm4b:s25+s2] =	stream.linear.scatter [tilespmem:s26], [sflag:$0x3], $0x80, $0x38;
	[tilespmem:$0x8500] =	vst v63  }
0xc8: {  	s30 =	sadd.s32 $0x4188, s24;
	s31 =	sadd.s32 $0x10, s25  }
0xc9: {  	[hbm4b:s31+s2] =	stream.linear.scatter [tilespmem:s30], [sflag:$0x3], $0x80, $0x38;
	[tilespmem:$0x8500] =	vst v63  }
0xca: {  	s29 =	sadd.s32 $0x4210, s24;
	s30 =	sadd.s32 $0x20, s25  }
0xcb: {  	[hbm4b:s30+s2] =	stream.linear.scatter [tilespmem:s29], [sflag:$0x3], $0x80, $0x38;
	[tilespmem:$0x8500] =	vst v63  }
0xcc: {  	s31 =	sadd.s32 $0x4298, s24;
	s29 =	sadd.s32 $0x30, s25  }
0xcd: {  	[hbm4b:s29+s2] =	stream.linear.scatter [tilespmem:s31], [sflag:$0x3], $0x80, $0x38;
	[tilespmem:$0x8500] =	vst v63  }
0xce: {  	s30 =	sadd.s32 $0x4320, s24;
	s31 =	sadd.s32 $0x40, s25  }
0xcf: {  	[hbm4b:s31+s2] =	stream.linear.scatter [tilespmem:s30], [sflag:$0x3], $0x80, $0x38;
	[tilespmem:$0x8500] =	vst v63  }
0xd0: {  	p1 =	sne.s32 s22, $0x63;
	s29 =	sadd.s32 $0x43A8, s24;
	s30 =	sadd.s32 $0x50, s25  }
0xd1: {  	[hbm4b:s30+s2] =	stream.linear.scatter [tilespmem:s29], [sflag:$0x3], $0x80, $0x38;
	[tilespmem:$0x8500] =	vst v63  }
.Ltmp2:
0xd2: {  	_ = 	snop;
	(pc) =	sbr.rel @p1 .LBB2_8-.Ltmp2, $4  }
0xd3: {  	s31 =	sadd.s32 $0x4430, s24;
	s29 =	sadd.s32 $0x60, s25  }
0xd4: {  	[hbm4b:s29+s2] =	stream.linear.scatter [tilespmem:s31], [sflag:$0x3], $0x80, $0x38;
	[tilespmem:$0x8500] =	vst v63  }
0xd5: {  	s30 =	sadd.s32 $0x44B8, s24;
	s31 =	sadd.s32 $0x70, s25  }
0xd6: {  	[hbm4b:s31+s2] =	stream.linear.scatter [tilespmem:s30], [sflag:$0x3], $0x80, $0x38;
	[tilespmem:$0x8500] =	vst v63  }
.Ltmp3:
0xd7: {  	(pc) =	sbr.rel .LBB2_9-.Ltmp3, $4  }
0xd8: {  	_ = 	snop  }
0xd9: {  	_ =	swait.ge [sflag:s17], $0x2000  }
0xda: {  	[sflag:s17] =	ssyncset.done $0x0  }
0xdb: {  	[sflag:s17] =	ssyncadd.s32 $0xFFFFE000  }
.LBB2_8:
0xdc: {  	s24 =	sshll.u32 s22, $0xD  }
0xdd: {  	s24 =	sadd.s32 s8, s24  }
0xde: {  	s24 =	sshrl.u32 s24, $0x3  }
0xdf: {  	s24 =	sadd.s32 s5, s24  }
0xe0: {  	[tilespmem:s2], [sflag:$0x5] =	stream.linear.gather [hbm4b:s24+s2], $0x80, $0x38;
	[tilespmem:$0x8500] =	vst v63  }
0xe1: {  	_ =	swait.ge [sflag:s11], $0x80  }
0xe2: {  	[sflag:s11] =	ssyncset.done $0x0  }
0xe3: {  	[sflag:s11] =	ssyncadd.s32 $0xFFFFFF80  }
0xe4: {  	v33 =	vld [tilespmem:$0x0]  }
0xe5: {  	v34 =	vld [tilespmem:$0x10]  }
0xe6: {  	v35 =	vld [tilespmem:$0x20]  }
0xe7: {  	v36 =	vld [tilespmem:$0x30]  }
0xe8: {  	v37 =	vld [tilespmem:$0x40]  }
0xe9: {  	v38 =	vld [tilespmem:$0x50];
	v33 =	vshll.u32 v33, $0x1  }
0xea: {  	v56 =	vld [tilespmem:$0x60];
	v55 =	vshll.u32 v34, $0x1;
	[tilespmem:$0x0] =	vst v33  }
0xeb: {  	v58 =	vld [tilespmem:$0x70];
	v57 =	vshll.u32 v35, $0x1;
	[tilespmem:$0x10] =	vst v55  }
0xec: {  	v59 =	vshll.u32 v36, $0x1;
	[tilespmem:$0x20] =	vst v57  }
0xed: {  	v60 =	vshll.u32 v37, $0x1;
	[tilespmem:$0x30] =	vst v59  }
0xee: {  	v61 =	vshll.u32 v38, $0x1;
	[tilespmem:$0x40] =	vst v60  }
0xef: {  	v62 =	vshll.u32 v56, $0x1;
	[tilespmem:$0x50] =	vst v61  }
0xf0: {  	v63 =	vshll.u32 v58, $0x1;
	[tilespmem:$0x60] =	vst v62  }
.Ltmp4:
0xf1: {  	[tilespmem:$0x70] =	vst v63;
	(pc) =	sbr.rel @p0 .LBB2_10-.Ltmp4, $4  }
0xf2: {  	[tilespmem:s13], [sflag:$0x1] =	stream.indirect.gather [hbm4b:s4+s12], $0x40, s2, s12, $0xb8;
	[tilespmem:$0x8500] =	vst v63  }
0xf3: {  	_ =	swait.ge [sflag:s17], $0x2000  }
0xf4: {  	[sflag:s17] =	ssyncset.done $0x0  }
0xf5: {  	[sflag:s17] =	ssyncadd.s32 $0xFFFFE000  }
.LBB2_9:
0xf6: {  	_ =	swait.ge [sflag:s18], $0x2000  }
0xf7: {  	[sflag:s18] =	ssyncset.done $0x0  }
0xf8: {  	[sflag:s18] =	ssyncadd.s32 $0xFFFFE000  }
.LBB2_10:
0xf9: {  	s24 =	simm.s32 $0x0;
	s29 =	simm.s32 $0x1;
	s25 =	simm.s32 $0x2  }
0xfa: {  	s30 =	simm.s32 $0x3;
	s31 =	simm.s32 $0x4;
	s26 =	simm.s32 $0x7;
	v33 =	vmov s24;
	v34 =	vmov s29;
	v35 =	vmov s25  }
0xfb: {  	s28 =	simm.s32 $0x5;
	v36 =	vmov s30;
	v37 =	vmov s31;
	v38 =	vmov s26  }
0xfc: {  	v39 =	vmov s28;
	s29 =	simm.s32 $0x6;
	v33 =	vshrl.u32 v33, $0x3;
	v38 =	vshrl.u32 v38, $0x3  }
0xfd: {  	v40 =	vmov s29;
	v34 =	vshrl.u32 v34, $0x3;
	v35 =	vshrl.u32 v35, $0x3  }
0xfe: {  	v36 =	vshrl.u32 v36, $0x3;
	v37 =	vshrl.u32 v37, $0x3;
	v38 =	vshll.u32 v38, v1  }
0xff: {  	v55 =	vshrl.u32 v39, $0x3;
	v33 =	vshll.u32 v33, v1;
	v38 =	vbroadcast v38, $0x0  }
0x100: {  	s24 =	simm.s32 $0x2200;
	v34 =	vshll.u32 v34, v1;
	v52 =	vshll.u32 v35, v1;
	v33 =	vbroadcast v33, $0x0  }
0x101: {  	v41 =	vld [tilespmem:s24+$0xC0];
	v53 =	vshll.u32 v36, v1;
	v45 =	vbroadcast v34, $0x0;
	v42 =	vadd.s32 v29, v38  }
0x102: {  	v43 =	vld [tilespmem:s24+$0xFFFFFF00];
	v54 =	vshll.u32 v37, v1;
	v52 =	vbroadcast v52, $0x0;
	v44 =	vadd.s32 v0, v33  }
0x103: {  	v46 =	vld [tilespmem:s24+$0xFFFFFF40];
	v36 =	vshll.u32 v55, v1;
	v35 =	vbroadcast v53, $0x0;
	v47 =	vadd.s32 v5, v45  }
0x104: {  	v48 =	vld [tilespmem:s24+$0xFFFFFF80];
	v40 =	vshrl.u32 v40, $0x3;
	v34 =	vbroadcast v54, $0x0;
	v49 =	vadd.s32 v9, v52  }
0x105: {  	v39 =	vld [tilespmem:s24+$0xFFFFFFC0];
	v37 =	vbroadcast v36, $0x0;
	v56 =	vshll.u32 v40, v1;
	v50 =	vadd.s32 v13, v35  }
0x106: {  	v51 =	vld [tilespmem:s24+$0x0];
	v36 =	vbroadcast v56, $0x0;
	v53 =	vadd.s32 v17, v34;
	[tilespmem:v42+s19+$0x0] =	vst.idx.msk $0xffff, v41  }
0x107: {  	v59 =	vld [tilespmem:s24+$0x40];
	v60 =	vadd.s32 v21, v37;
	[tilespmem:v44+s19+$0x0] =	vst.idx.msk $0xffff, v43  }
0x108: {  	v61 =	vld [tilespmem:s24+$0x80];
	v62 =	vadd.s32 v25, v36;
	[tilespmem:v47+s19+$0x0] =	vst.idx.msk $0xffff, v46  }
0x109: {  	v58 =	vadd.s32 v30, v38;
	[tilespmem:v49+s19+$0x0] =	vst.idx.msk $0xffff, v48;
	v57 =	vld [tilespmem:s24+$0xD0]  }
0x10a: {  	v63 =	vadd.s32 v6, v45;
	[tilespmem:v50+s19+$0x0] =	vst.idx.msk $0xffff, v39;
	v47 =	vld [tilespmem:s24+$0xFFFFFF50]  }
0x10b: {  	v55 =	vadd.s32 v10, v52;
	[tilespmem:v53+s19+$0x0] =	vst.idx.msk $0xffff, v51;
	v54 =	vld [tilespmem:s24+$0xFFFFFF90]  }
0x10c: {  	v56 =	vadd.s32 v14, v35;
	[tilespmem:v60+s19+$0x0] =	vst.idx.msk $0xffff, v59;
	v50 =	vld [tilespmem:s24+$0xFFFFFFD0]  }
0x10d: {  	v46 =	vadd.s32 v22, v37;
	[tilespmem:v62+s19+$0x0] =	vst.idx.msk $0xffff, v61;
	v44 =	vld [tilespmem:s24+$0x50]  }
0x10e: {  	v59 =	vadd.s32 v18, v34;
	[tilespmem:v58+s19+$0x0] =	vst.idx.msk $0xffff, v57;
	v58 =	vld [tilespmem:s24+$0x10]  }
0x10f: {  	v57 =	vadd.s32 v31, v38;
	[tilespmem:v63+s19+$0x0] =	vst.idx.msk $0xffff, v47;
	v40 =	vld [tilespmem:s24+$0xE0]  }
0x110: {  	v60 =	vadd.s32 v26, v36;
	[tilespmem:v55+s19+$0x0] =	vst.idx.msk $0xffff, v54;
	v63 =	vld [tilespmem:s24+$0x90]  }
0x111: {  	v61 =	vld [tilespmem:s24+$0xFFFFFF10];
	v62 =	vadd.s32 v2, v33;
	[tilespmem:v56+s19+$0x0] =	vst.idx.msk $0xffff, v50  }
0x112: {  	v51 =	vadd.s32 v7, v45;
	[tilespmem:v46+s19+$0x0] =	vst.idx.msk $0xffff, v44;
	v50 =	vld [tilespmem:s24+$0xFFFFFF60]  }
0x113: {  	v56 =	vadd.s32 v11, v52;
	v55 =	vld [tilespmem:s24+$0xFFFFFFA0];
	[tilespmem:v59+s19+$0x0] =	vst.idx.msk $0xffff, v58  }
0x114: {  	v58 =	vadd.s32 v15, v35;
	[tilespmem:v57+s19+$0x0] =	vst.idx.msk $0xffff, v40;
	v57 =	vld [tilespmem:s24+$0xFFFFFFE0]  }
0x115: {  	[tilespmem:v60+s19+$0x0] =	vst.idx.msk $0xffff, v63;
	v60 =	vadd.s32 v19, v34;
	v59 =	vld [tilespmem:s24+$0x20]  }
0x116: {  	s31 =	simm.s32 $0x9;
	v38 =	vadd.s32 v32, v38;
	[tilespmem:v62+s19+$0x0] =	vst.idx.msk $0xffff, v61;
	v54 =	vld [tilespmem:s24+$0xF0]  }
0x117: {  	s30 =	simm.s32 $0x8;
	v41 =	vadd.s32 v23, v37;
	v53 =	vmov s31;
	[tilespmem:v51+s19+$0x0] =	vst.idx.msk $0xffff, v50;
	v40 =	vld [tilespmem:s24+$0x60]  }
0x118: {  	s28 =	simm.s32 $0xB;
	s29 =	simm.s32 $0xC;
	v43 =	vadd.s32 v27, v36;
	v48 =	vadd.s32 v3, v33;
	v63 =	vmov s30;
	v42 =	vld [tilespmem:s24+$0xA0];
	[tilespmem:v56+s19+$0x0] =	vst.idx.msk $0xffff, v55  }
0x119: {  	s31 =	simm.s32 $0xE;
	v44 =	vmov s28;
	v47 =	vmov s29;
	v46 =	vld [tilespmem:s24+$0xFFFFFF20];
	v39 =	vshrl.u32 v63, $0x3;
	[tilespmem:v58+s19+$0x0] =	vst.idx.msk $0xffff, v57  }
0x11a: {  	s26 =	simm.s32 $0xA;
	s30 =	simm.s32 $0xD;
	v51 =	vadd.s32 v8, v45;
	v49 =	vld [tilespmem:s24+$0xFFFFFF70];
	v45 =	vshll.u32 v39, v1;
	v39 =	vmov s31;
	[tilespmem:v60+s19+$0x0] =	vst.idx.msk $0xffff, v59  }
0x11b: {  	s25 =	simm.s32 $0x10;
	v52 =	vadd.s32 v12, v52;
	v50 =	vld [tilespmem:s24+$0xFFFFFFB0];
	[tilespmem:v38+s19+$0x0] =	vst.idx.msk $0xffff, v54;
	v54 =	vmov s26;
	v38 =	vmov s30;
	s26 =	simm.s32 $0xF  }
.LBB2_11:
0x11c: {  	p0 =	slt.u32 s25, $0x78;
	v53 =	vshrl.u32 v53, $0x3;
	v55 =	vmov s26;
	v56 =	vld [tilespmem:s24+$0xFFFFFFF0];
	v35 =	vadd.s32 v16, v35;
	[tilespmem:v41+s19+$0x0] =	vst.idx.msk $0xffff, v40  }
0x11d: {  	v40 =	vshrl.u32 v54, $0x3;
	v34 =	vadd.s32 v20, v34;
	v41 =	vshrl.u32 v55, $0x3;
	v54 =	vld [tilespmem:s24+$0x30];
	[tilespmem:v43+s19+$0x0] =	vst.idx.msk $0xffff, v42  }
0x11e: {  	v37 =	vadd.s32 v24, v37;
	v42 =	vshrl.u32 v44, $0x3;
	v41 =	vshll.u32 v41, v1;
	[tilespmem:v48+s19+$0x0] =	vst.idx.msk $0xffff, v46;
	v43 =	vld [tilespmem:s24+$0x70]  }
0x11f: {  	v36 =	vadd.s32 v28, v36;
	v44 =	vshrl.u32 v47, $0x3;
	v41 =	vbroadcast v41, $0x0;
	[tilespmem:v51+s19+$0x0] =	vst.idx.msk $0xffff, v49;
	v46 =	vld [tilespmem:s24+$0xB0]  }
0x120: {  	v47 =	vshll.u32 v53, v1;
	v49 =	vadd.s32 v4, v33;
	v33 =	vbroadcast v45, $0x0;
	v48 =	vld [tilespmem:s24+$0xFFFFFF30];
	[tilespmem:v52+s19+$0x0] =	vst.idx.msk $0xffff, v50;
	s24 =	sadd.s32 $0x200, s24  }
0x121: {  	v40 =	vshll.u32 v40, v1;
	v45 =	vbroadcast v47, $0x0;
	v47 =	vld [tilespmem:s24+$0xC0];
	v50 =	vadd.s32 v29, v41;
	[tilespmem:v35+s19+$0x0] =	vst.idx.msk $0xffff, v56  }
0x122: {  	v55 =	vbroadcast v40, $0x0;
	v52 =	vadd.s32 v0, v33;
	v35 =	vshll.u32 v42, v1;
	v51 =	vld [tilespmem:s24+$0xFFFFFF00];
	[tilespmem:v34+s19+$0x0] =	vst.idx.msk $0xffff, v54  }
0x123: {  	v42 =	vadd.s32 v5, v45;
	v35 =	vbroadcast v35, $0x0;
	v34 =	vshll.u32 v44, v1;
	v40 =	vld [tilespmem:s24+$0xFFFFFF40];
	[tilespmem:v37+s19+$0x0] =	vst.idx.msk $0xffff, v43  }
0x124: {  	v44 =	vadd.s32 v9, v55;
	v34 =	vbroadcast v34, $0x0;
	v37 =	vshrl.u32 v38, $0x3;
	v43 =	vld [tilespmem:s24+$0xFFFFFF80];
	[tilespmem:v36+s19+$0x0] =	vst.idx.msk $0xffff, v46  }
0x125: {  	v39 =	vshrl.u32 v39, $0x3;
	v46 =	vadd.s32 v13, v35;
	v36 =	vshll.u32 v37, v1;
	v38 =	vld [tilespmem:s24+$0xFFFFFFC0];
	[tilespmem:v49+s19+$0x0] =	vst.idx.msk $0xffff, v48  }
0x126: {  	v49 =	vadd.s32 v17, v34;
	v37 =	vbroadcast v36, $0x0;
	v36 =	vshll.u32 v39, v1;
	v48 =	vld [tilespmem:s24+$0x0];
	[tilespmem:v50+s19+$0x0] =	vst.idx.msk $0xffff, v47  }
0x127: {  	v36 =	vbroadcast v36, $0x0;
	v47 =	vadd.s32 v30, v41;
	[tilespmem:v52+s19+$0x0] =	vst.idx.msk $0xffff, v51;
	v39 =	vld [tilespmem:s24+$0xD0]  }
0x128: {  	[tilespmem:v42+s19+$0x0] =	vst.idx.msk $0xffff, v40;
	v40 =	vld [tilespmem:s24+$0x40];
	v42 =	vadd.s32 v21, v37  }
0x129: {  	[tilespmem:v44+s19+$0x0] =	vst.idx.msk $0xffff, v43;
	v43 =	vld [tilespmem:s24+$0x80];
	v44 =	vadd.s32 v25, v36  }
0x12a: {  	v51 =	vadd.s32 v6, v45;
	v50 =	vld [tilespmem:s24+$0xFFFFFF50];
	[tilespmem:v46+s19+$0x0] =	vst.idx.msk $0xffff, v38  }
0x12b: {  	v46 =	vadd.s32 v10, v55;
	v38 =	vld [tilespmem:s24+$0xFFFFFF90];
	[tilespmem:v49+s19+$0x0] =	vst.idx.msk $0xffff, v48  }
0x12c: {  	v49 =	vadd.s32 v14, v35;
	v48 =	vld [tilespmem:s24+$0xFFFFFFD0];
	[tilespmem:v47+s19+$0x0] =	vst.idx.msk $0xffff, v39  }
0x12d: {  	[tilespmem:v42+s19+$0x0] =	vst.idx.msk $0xffff, v40;
	v39 =	vld [tilespmem:s24+$0xE0];
	v40 =	vadd.s32 v31, v41  }
0x12e: {  	v47 =	vadd.s32 v18, v34;
	v42 =	vld [tilespmem:s24+$0x10];
	[tilespmem:v44+s19+$0x0] =	vst.idx.msk $0xffff, v43  }
0x12f: {  	v44 =	vadd.s32 v22, v37;
	[tilespmem:v51+s19+$0x0] =	vst.idx.msk $0xffff, v50;
	v43 =	vld [tilespmem:s24+$0x50]  }
0x130: {  	[tilespmem:v46+s19+$0x0] =	vst.idx.msk $0xffff, v38;
	v38 =	vld [tilespmem:s24+$0x90];
	v46 =	vadd.s32 v26, v36  }
0x131: {  	v51 =	vadd.s32 v2, v33;
	v50 =	vld [tilespmem:s24+$0xFFFFFF10];
	[tilespmem:v49+s19+$0x0] =	vst.idx.msk $0xffff, v48  }
0x132: {  	v49 =	vadd.s32 v7, v45;
	v48 =	vld [tilespmem:s24+$0xFFFFFF60];
	[tilespmem:v40+s19+$0x0] =	vst.idx.msk $0xffff, v39  }
0x133: {  	[tilespmem:v47+s19+$0x0] =	vst.idx.msk $0xffff, v42;
	v39 =	vld [tilespmem:s24+$0xF0];
	v47 =	vadd.s32 v32, v41  }
0x134: {  	v56 =	vadd.s32 v11, v55;
	v52 =	vld [tilespmem:s24+$0xFFFFFFA0];
	[tilespmem:v44+s19+$0x0] =	vst.idx.msk $0xffff, v43  }
0x135: {  	v58 =	vadd.s32 v15, v35;
	v57 =	vld [tilespmem:s24+$0xFFFFFFE0];
	[tilespmem:v46+s19+$0x0] =	vst.idx.msk $0xffff, v38  }
0x136: {  	v60 =	vadd.s32 v19, v34;
	[tilespmem:v51+s19+$0x0] =	vst.idx.msk $0xffff, v50;
	v59 =	vld [tilespmem:s24+$0x20]  }
.Ltmp5:
0x137: {  	s26 =	sadd.s32 $0x1, s25;
	v41 =	vadd.s32 v23, v37;
	v38 =	vmov s25;
	[tilespmem:v49+s19+$0x0] =	vst.idx.msk $0xffff, v48;
	v40 =	vld [tilespmem:s24+$0x60];
	(pc) =	sbr.rel @p0 .LBB2_11-.Ltmp5, $4  }
0x138: {  	s28 =	sadd.s32 $0x3, s25;
	v53 =	vmov s26;
	s26 =	sadd.s32 $0x2, s25;
	v43 =	vadd.s32 v27, v36;
	v50 =	vshrl.u32 v38, $0x3;
	v42 =	vld [tilespmem:s24+$0xA0];
	[tilespmem:v47+s19+$0x0] =	vst.idx.msk $0xffff, v39  }
0x139: {  	v54 =	vmov s26;
	s26 =	sadd.s32 $0x4, s25;
	v44 =	vmov s28;
	s28 =	sadd.s32 $0x5, s25;
	v48 =	vadd.s32 v3, v33;
	v46 =	vld [tilespmem:s24+$0xFFFFFF20];
	[tilespmem:v56+s19+$0x0] =	vst.idx.msk $0xffff, v52  }
0x13a: {  	v38 =	vmov s28;
	v51 =	vadd.s32 v8, v45;
	v47 =	vmov s26;
	s26 =	sadd.s32 $0x6, s25;
	v49 =	vld [tilespmem:s24+$0xFFFFFF70];
	[tilespmem:v58+s19+$0x0] =	vst.idx.msk $0xffff, v57  }
0x13b: {  	v45 =	vshll.u32 v50, v1;
	v39 =	vmov s26;
	s26 =	sadd.s32 $0x7, s25;
	s25 =	sadd.s32 $0x8, s25;
	v52 =	vadd.s32 v12, v55;
	v50 =	vld [tilespmem:s24+$0xFFFFFFB0];
	[tilespmem:v60+s19+$0x0] =	vst.idx.msk $0xffff, v59  }
0x13c: {  	_ =	sdelay $0x2  }
0x13d: {  	v53 =	vshrl.u32 v53, $0x3  }
0x13e: {  	v55 =	vmov s26;
	v56 =	vld [tilespmem:s24+$0xFFFFFFF0];
	v35 =	vadd.s32 v16, v35;
	[tilespmem:v41+s19+$0x0] =	vst.idx.msk $0xffff, v40;
	v57 =	vshrl.u32 v54, $0x3  }
0x13f: {  	v59 =	vld [tilespmem:s24+$0x30];
	v34 =	vadd.s32 v20, v34;
	v60 =	vshrl.u32 v44, $0x3;
	v58 =	vshrl.u32 v55, $0x3;
	[tilespmem:v43+s19+$0x0] =	vst.idx.msk $0xffff, v42  }
0x140: {  	v37 =	vadd.s32 v24, v37;
	v62 =	vshrl.u32 v47, $0x3;
	v61 =	vld [tilespmem:s24+$0x70];
	v41 =	vshll.u32 v58, v1;
	[tilespmem:v48+s19+$0x0] =	vst.idx.msk $0xffff, v46  }
0x141: {  	v36 =	vadd.s32 v28, v36;
	v45 =	vbroadcast v45, $0x0;
	v63 =	vld [tilespmem:s24+$0xB0];
	v41 =	vbroadcast v41, $0x0;
	[tilespmem:v51+s19+$0x0] =	vst.idx.msk $0xffff, v49  }
0x142: {  	v33 =	vadd.s32 v4, v33;
	s25 =	sadd.s32 $0x200, s24;
	v38 =	vshrl.u32 v38, $0x3;
	v55 =	vshll.u32 v53, v1;
	v48 =	vld [tilespmem:s24+$0xFFFFFF30];
	[tilespmem:v52+s19+$0x0] =	vst.idx.msk $0xffff, v50  }
0x143: {  	v40 =	vshll.u32 v57, v1;
	v47 =	vbroadcast v55, $0x0;
	v49 =	vld [tilespmem:s25+$0xC0];
	v50 =	vadd.s32 v29, v41;
	[tilespmem:v35+s19+$0x0] =	vst.idx.msk $0xffff, v56  }
0x144: {  	v42 =	vshll.u32 v60, v1;
	v40 =	vbroadcast v40, $0x0;
	v35 =	vld [tilespmem:s25+$0xFFFFFF00];
	v56 =	vadd.s32 v0, v45;
	[tilespmem:v34+s19+$0x0] =	vst.idx.msk $0xffff, v59  }
0x145: {  	v57 =	vld [tilespmem:s25+$0xFFFFFF40];
	v44 =	vshll.u32 v62, v1;
	v42 =	vbroadcast v42, $0x0;
	v58 =	vadd.s32 v5, v47;
	[tilespmem:v37+s19+$0x0] =	vst.idx.msk $0xffff, v61  }
0x146: {  	v38 =	vshll.u32 v38, v1;
	v44 =	vbroadcast v44, $0x0;
	v60 =	vadd.s32 v9, v40;
	v59 =	vld [tilespmem:s25+$0xFFFFFF80];
	[tilespmem:v36+s19+$0x0] =	vst.idx.msk $0xffff, v63  }
0x147: {  	v38 =	vbroadcast v38, $0x0;
	v62 =	vadd.s32 v13, v42;
	v61 =	vld [tilespmem:s25+$0xFFFFFFC0];
	[tilespmem:v33+s19+$0x0] =	vst.idx.msk $0xffff, v48  }
0x148: {  	v39 =	vshrl.u32 v39, $0x3;
	v63 =	vadd.s32 v17, v44;
	v33 =	vld [tilespmem:s25+$0x0];
	[tilespmem:v50+s19+$0x0] =	vst.idx.msk $0xffff, v49  }
0x149: {  	v39 =	vshll.u32 v39, v1;
	v34 =	vld [tilespmem:s25+$0x40];
	[tilespmem:v56+s19+$0x0] =	vst.idx.msk $0xffff, v35;
	v56 =	vadd.s32 v21, v38  }
0x14a: {  	[tilespmem:v58+s19+$0x0] =	vst.idx.msk $0xffff, v57;
	v35 =	vbroadcast v39, $0x0;
	v49 =	vadd.s32 v30, v41;
	v39 =	vld [tilespmem:s25+$0xD0]  }
0x14b: {  	[tilespmem:v60+s19+$0x0] =	vst.idx.msk $0xffff, v59;
	v59 =	vld [tilespmem:s25+$0xFFFFFF50];
	v60 =	vadd.s32 v6, v47  }
0x14c: {  	v57 =	vld [tilespmem:s25+$0x80];
	[tilespmem:v62+s19+$0x0] =	vst.idx.msk $0xffff, v61;
	v58 =	vadd.s32 v25, v35  }
0x14d: {  	v61 =	vld [tilespmem:s25+$0xFFFFFF90];
	v62 =	vadd.s32 v10, v40;
	[tilespmem:v63+s19+$0x0] =	vst.idx.msk $0xffff, v33  }
0x14e: {  	v33 =	vld [tilespmem:s25+$0xFFFFFFD0];
	v63 =	vadd.s32 v14, v42;
	[tilespmem:v56+s19+$0x0] =	vst.idx.msk $0xffff, v34  }
0x14f: {  	v56 =	vadd.s32 v18, v44;
	[tilespmem:v49+s19+$0x0] =	vst.idx.msk $0xffff, v39;
	v49 =	vld [tilespmem:s25+$0x10]  }
0x150: {  	[tilespmem:v60+s19+$0x0] =	vst.idx.msk $0xffff, v59;
	v39 =	vadd.s32 v31, v41;
	v34 =	vld [tilespmem:s25+$0xE0]  }
0x151: {  	[tilespmem:v58+s19+$0x0] =	vst.idx.msk $0xffff, v57;
	v57 =	vld [tilespmem:s25+$0x50];
	v58 =	vadd.s32 v22, v38  }
0x152: {  	[tilespmem:v62+s19+$0x0] =	vst.idx.msk $0xffff, v61;
	v61 =	vld [tilespmem:s25+$0xFFFFFF10];
	v62 =	vadd.s32 v2, v45  }
0x153: {  	v60 =	vadd.s32 v26, v35;
	v59 =	vld [tilespmem:s25+$0x90];
	[tilespmem:v63+s19+$0x0] =	vst.idx.msk $0xffff, v33  }
0x154: {  	v55 =	vadd.s32 v11, v40;
	v54 =	vadd.s32 v32, v41;
	v41 =	vld [tilespmem:s25+$0xFFFFFFA0];
	[tilespmem:v56+s19+$0x0] =	vst.idx.msk $0xffff, v49  }
0x155: {  	v53 =	vadd.s32 v7, v47;
	v63 =	vld [tilespmem:s25+$0xFFFFFF60];
	[tilespmem:v39+s19+$0x0] =	vst.idx.msk $0xffff, v34  }
0x156: {  	v56 =	vld [tilespmem:s25+$0xFFFFFFE0];
	[tilespmem:v58+s19+$0x0] =	vst.idx.msk $0xffff, v57;
	v57 =	vadd.s32 v15, v42  }
0x157: {  	[tilespmem:v62+s19+$0x0] =	vst.idx.msk $0xffff, v61;
	v34 =	vld [tilespmem:s25+$0xF0]  }
0x158: {  	v58 =	vld [tilespmem:s25+$0x20];
	[tilespmem:v60+s19+$0x0] =	vst.idx.msk $0xffff, v59;
	v59 =	vadd.s32 v19, v44  }
0x159: {  	v61 =	vadd.s32 v23, v38;
	[tilespmem:v55+s19+$0x0] =	vst.idx.msk $0xffff, v41;
	v60 =	vld [tilespmem:s25+$0x60]  }
0x15a: {  	[tilespmem:v53+s19+$0x0] =	vst.idx.msk $0xffff, v63;
	v63 =	vadd.s32 v27, v35;
	v62 =	vld [tilespmem:s25+$0xA0]  }
0x15b: {  	v47 =	vadd.s32 v8, v47;
	v55 =	vld [tilespmem:s25+$0xFFFFFF70];
	[tilespmem:v57+s19+$0x0] =	vst.idx.msk $0xffff, v56  }
0x15c: {  	v53 =	vld [tilespmem:s25+$0xFFFFFF20];
	[tilespmem:v54+s19+$0x0] =	vst.idx.msk $0xffff, v34;
	v54 =	vadd.s32 v3, v45  }
0x15d: {  	v40 =	vadd.s32 v12, v40;
	v56 =	vld [tilespmem:s25+$0xFFFFFFB0];
	[tilespmem:v59+s19+$0x0] =	vst.idx.msk $0xffff, v58  }
0x15e: {  	v42 =	vadd.s32 v16, v42;
	v57 =	vld [tilespmem:s25+$0xFFFFFFF0];
	[tilespmem:v61+s19+$0x0] =	vst.idx.msk $0xffff, v60  }
0x15f: {  	v59 =	vadd.s32 v20, v44;
	v58 =	vld [tilespmem:s25+$0x30];
	[tilespmem:v63+s19+$0x0] =	vst.idx.msk $0xffff, v62  }
0x160: {  	v38 =	vadd.s32 v24, v38;
	v60 =	vld [tilespmem:s25+$0x70];
	[tilespmem:v47+s19+$0x0] =	vst.idx.msk $0xffff, v55  }
0x161: {  	v35 =	vadd.s32 v28, v35;
	v61 =	vld [tilespmem:s25+$0xB0];
	[tilespmem:v54+s19+$0x0] =	vst.idx.msk $0xffff, v53  }
0x162: {  	v63 =	vadd.s32 v4, v45;
	[tilespmem:v40+s19+$0x0] =	vst.idx.msk $0xffff, v56;
	v62 =	vld [tilespmem:s25+$0xFFFFFF30]  }
0x163: {  	[tilespmem:v42+s19+$0x0] =	vst.idx.msk $0xffff, v57  }
0x164: {  	s23 =	sshll.u32 s23, $0x12;
	[tilespmem:v59+s19+$0x0] =	vst.idx.msk $0xffff, v58  }
0x165: {  	s23 =	sor.u32 s9, s23;
	[tilespmem:v38+s19+$0x0] =	vst.idx.msk $0xffff, v60  }
0x166: {  	s23 =	sshrl.u32 s23, $0x3;
	[tilespmem:v35+s19+$0x0] =	vst.idx.msk $0xffff, v61  }
0x167: {  	s26 =	simm.s32 $0x6300;
	s24 =	sadd.s32 s1, s23;
	[tilespmem:v63+s19+$0x0] =	vst.idx.msk $0xffff, v62  }
0x168: {  	[hbm4b:s24+s2] =	stream.linear.scatter [tilespmem:s26], [sflag:$0x4], $0x80, $0x38;
	[tilespmem:$0x8500] =	vst v63  }
0x169: {  	s29 =	simm.s32 $0x6388;
	s25 =	sadd.s32 $0x10, s24  }
0x16a: {  	[hbm4b:s25+s2] =	stream.linear.scatter [tilespmem:s29], [sflag:$0x4], $0x80, $0x38;
	[tilespmem:$0x8500] =	vst v63  }
0x16b: {  	s30 =	simm.s32 $0x6410;
	s23 =	simm.s32 $0x440;
	s31 =	sadd.s32 $0x20, s24  }
0x16c: {  	[hbm4b:s31+s2] =	stream.linear.scatter [tilespmem:s30], [sflag:$0x4], $0x80, $0x38;
	[tilespmem:$0x8500] =	vst v63  }
0x16d: {  	s28 =	sadd.s32 $0x70, s24;
	s26 =	simm.s32 $0x6498;
	s29 =	sadd.s32 $0x30, s24  }
0x16e: {  	[hbm4b:s29+s2] =	stream.linear.scatter [tilespmem:s26], [sflag:$0x4], $0x80, $0x38;
	[tilespmem:$0x8500] =	vst v63  }
0x16f: {  	s25 =	simm.s32 $0x2200;
	s30 =	simm.s32 $0x6520;
	s31 =	sadd.s32 $0x40, s24  }
0x170: {  	[hbm4b:s31+s2] =	stream.linear.scatter [tilespmem:s30], [sflag:$0x4], $0x80, $0x38;
	[tilespmem:$0x8500] =	vst v63  }
0x171: {  	s26 =	simm.s32 $0x65A8;
	s29 =	sadd.s32 $0x50, s24;
	s30 =	simm.s32 $0x6630  }
0x172: {  	[hbm4b:s29+s2] =	stream.linear.scatter [tilespmem:s26], [sflag:$0x4], $0x80, $0x38;
	[tilespmem:$0x8500] =	vst v63  }
0x173: {  	s31 =	sadd.s32 $0x60, s24;
	s24 =	sadd.s32 $0x1000, s24;
	s26 =	simm.s32 $0x66B8  }
0x174: {  	[hbm4b:s31+s2] =	stream.linear.scatter [tilespmem:s30], [sflag:$0x4], $0x80, $0x38;
	[tilespmem:$0x8500] =	vst v63  }
.LBB2_13:
0x175: {  	[hbm4b:s28+s2] =	stream.linear.scatter [tilespmem:s26], [sflag:$0x4], $0x80, $0x38;
	[tilespmem:$0x8500] =	vst v63  }
0x176: {  	s26 =	smov.u32 s23;
	s23 =	smov.u32 s25  }
0x177: {  	s29 =	sadd.s32 $0x1100, s25;
	s23 =	sshra.s32 s23, $0x2;
	s28 =	sadd.s32 $0x6300, s26  }
0x178: {  	[hbm4b:s24+s2] =	stream.linear.scatter [tilespmem:s28], [sflag:$0x4], $0x80, $0x38;
	[tilespmem:$0x8500] =	vst v63  }
0x179: {  	p0 =	sne.s32 s25, $0x7700;
	s25 =	sadd.s32 $0x6388, s26;
	s28 =	sadd.s32 $0x10, s24  }
0x17a: {  	[hbm4b:s28+s2] =	stream.linear.scatter [tilespmem:s25], [sflag:$0x4], $0x80, $0x38;
	[tilespmem:$0x8500] =	vst v63  }
0x17b: {  	s25 =	sadd.s32 $0x6410, s26;
	s28 =	sadd.s32 $0x20, s24  }
0x17c: {  	[hbm4b:s28+s2] =	stream.linear.scatter [tilespmem:s25], [sflag:$0x4], $0x80, $0x38;
	[tilespmem:$0x8500] =	vst v63  }
0x17d: {  	s25 =	sadd.s32 $0x6498, s26;
	s28 =	sadd.s32 $0x30, s24  }
0x17e: {  	[hbm4b:s28+s2] =	stream.linear.scatter [tilespmem:s25], [sflag:$0x4], $0x80, $0x38;
	[tilespmem:$0x8500] =	vst v63  }
0x17f: {  	s25 =	sadd.s32 $0x6520, s26;
	s28 =	sadd.s32 $0x40, s24  }
0x180: {  	[hbm4b:s28+s2] =	stream.linear.scatter [tilespmem:s25], [sflag:$0x4], $0x80, $0x38;
	[tilespmem:$0x8500] =	vst v63  }
.Ltmp6:
0x181: {  	s25 =	sadd.s32 $0x65A8, s26;
	s28 =	sadd.s32 $0x50, s24;
	(pc) =	sbr.rel @p0 .LBB2_13-.Ltmp6, $4  }
0x182: {  	[hbm4b:s28+s2] =	stream.linear.scatter [tilespmem:s25], [sflag:$0x4], $0x80, $0x38;
	[tilespmem:$0x8500] =	vst v63  }
0x183: {  	s25 =	sadd.s32 $0x6630, s26;
	s28 =	sadd.s32 $0x60, s24;
	s26 =	sadd.s32 $0x66B8, s26  }
0x184: {  	[hbm4b:s28+s2] =	stream.linear.scatter [tilespmem:s25], [sflag:$0x4], $0x80, $0x38;
	[tilespmem:$0x8500] =	vst v63  }
0x185: {  	s28 =	sadd.s32 $0x70, s24;
	s24 =	sadd.s32 $0x1000, s24;
	s25 =	smov.u32 s29  }
0x186: {  	[hbm4b:s28+s2] =	stream.linear.scatter [tilespmem:s26], [sflag:$0x4], $0x80, $0x38;
	[tilespmem:$0x8500] =	vst v63  }
0x187: {  	s25 =	sadd.s32 $0x6300, s23  }
0x188: {  	[hbm4b:s24+s2] =	stream.linear.scatter [tilespmem:s25], [sflag:$0x4], $0x80, $0x38;
	[tilespmem:$0x8500] =	vst v63  }
0x189: {  	s30 =	sadd.s32 $0x6388, s23;
	s31 =	sadd.s32 $0x10, s24  }
0x18a: {  	[hbm4b:s31+s2] =	stream.linear.scatter [tilespmem:s30], [sflag:$0x4], $0x80, $0x38;
	[tilespmem:$0x8500] =	vst v63  }
0x18b: {  	s28 =	sadd.s32 $0x6410, s23;
	s29 =	sadd.s32 $0x20, s24  }
0x18c: {  	[hbm4b:s29+s2] =	stream.linear.scatter [tilespmem:s28], [sflag:$0x4], $0x80, $0x38;
	[tilespmem:$0x8500] =	vst v63  }
0x18d: {  	s30 =	sadd.s32 $0x6498, s23;
	s31 =	sadd.s32 $0x30, s24  }
0x18e: {  	[hbm4b:s31+s2] =	stream.linear.scatter [tilespmem:s30], [sflag:$0x4], $0x80, $0x38;
	[tilespmem:$0x8500] =	vst v63  }
0x18f: {  	s22 =	sadd.s32 $0x1, s22;
	s28 =	sadd.s32 $0x6520, s23;
	s29 =	sadd.s32 $0x40, s24  }
0x190: {  	[hbm4b:s29+s2] =	stream.linear.scatter [tilespmem:s28], [sflag:$0x4], $0x80, $0x38;
	[tilespmem:$0x8500] =	vst v63  }
0x191: {  	p0 =	sne.s32 s22, $0x64;
	s30 =	sadd.s32 $0x65A8, s23;
	s31 =	sadd.s32 $0x50, s24  }
0x192: {  	[hbm4b:s31+s2] =	stream.linear.scatter [tilespmem:s30], [sflag:$0x4], $0x80, $0x38;
	[tilespmem:$0x8500] =	vst v63  }
.Ltmp7:
0x193: {  	_ = 	snop;
	(pc) =	sbr.rel @p0 .LBB2_2-.Ltmp7, $4  }
0x194: {  	s28 =	sadd.s32 $0x6630, s23;
	s29 =	sadd.s32 $0x60, s24  }
0x195: {  	[hbm4b:s29+s2] =	stream.linear.scatter [tilespmem:s28], [sflag:$0x4], $0x80, $0x38;
	[tilespmem:$0x8500] =	vst v63  }
0x196: {  	s30 =	sadd.s32 $0x66B8, s23;
	s31 =	sadd.s32 $0x70, s24  }
0x197: {  	[hbm4b:s31+s2] =	stream.linear.scatter [tilespmem:s30], [sflag:$0x4], $0x80, $0x38;
	[tilespmem:$0x8500] =	vst v63  }
0x198: {  	s21 =	sadd.s32 $0x1, s21  }
0x199: {  	_ =	swait.ge [sflag:s20], $0x2000;
	p0 =	sne.s32 s21, s10  }
.Ltmp8:
0x19a: {  	[sflag:s20] =	ssyncset.done $0x0;
	(pc) =	sbr.rel @p0 .LBB2_1-.Ltmp8, $4  }
0x19b: {  	[sflag:s20] =	ssyncadd.s32 $0xFFFFE000  }
0x19c: {  	_ =	swait.ge [sflag:s18], $0x2000  }
0x19d: {  	[sflag:s18] =	ssyncset.done $0x0  }
0x19e: {  	[sflag:s18] =	ssyncadd.s32 $0xFFFFE000  }
0x19f: {  	_ =	sfence.sel $0x180000  }
0x1a0: {  	[bflag:$0x0] =	sbarrier.arrive $0xFFFF  }
0x1a1: {  	p0 =	sne.s32 s3, $0x0;
	_ =	strace $0x90000047  }
0x1a2: {  	s0 =	sadd.s32 @!p0 $0x100000, s0;
	[bflag:$0x2] =	sbarrier.arrive $0xFFFF  }
0x1a3: {  	[sflag:s0] =	ssyncadd.tile.s32 @!p0 $0x1;
	_ =	shalt  }
.Lfunc_end2:
_tile_overlayer_lowered:
.L_overlay_start_2:
0x1a4: {  	(tag) =	ssettag $0x2  }
0x1a5: {  	s0 =	rddreg [dreg:$0x0];
	s2 =	stileid.u32  }
0x1a6: {  	s1 =	rddreg [dreg:$0x1];
	p0 =	sne.s32 s2, $0x0  }
0x1a7: {  	s3 =	rddreg [dreg:$0x2];
	[bflag:$0x3] =	sbarrier.arrive $0xFFFF;
	s2 =	simm.s32 @!p0 $0x1C05  }
0x1a8: {  	[timem:s3], [sflag:s2] =	dma.local @!p0 [hbm:s0], s1  }
0x1a9: {  	s0 =	simm.s32 @!p0 $0x5  }
0x1aa: {  	_ =	swait.ge @!p0 [sflag:s0], s1  }
0x1ab: {  	s1 =	ssub.s32 @!p0 $0x0, s1;
	[sflag:s0] =	ssyncset.done @!p0 $0x0  }
0x1ac: {  	[sflag:s0] =	ssyncadd.s32 @!p0 s1  }
0x1ad: {  	[bflag:$0x3] =	sbarrier.arrive $0xFFFF  }
0x1ae: {  	_ =	shalt  }

</sc_bundles>
